<compile_context>
chip_gen: v7x
topology: tpu7x:2x2x1
jax: 0.10.2.dev20260603
libtpu: 0.0.44.dev20260713+nightly
codegen_flags: <defaults>
</compile_context>

<pallas_src>
import functools

import jax
import jax.numpy as jnp
from jax import lax
from jax.experimental import pallas as pl
from jax.experimental.pallas import tpu as pltpu
from jax.experimental.pallas import tpu_sc as plsc

_H, _W = 496, 432
_B, _P, _C = 4, 12000, 64
_XB = 56
_XB7 = _W - 7 * _XB
_CH = _XB * _H
_NV = _CH // 16
_PS = 12288
_K = 1200
_NK = _P // _K
_VK = _K // 16
_NC, _NS = 2, 16

_mesh = plsc.VectorSubcoreMesh(
    core_axis_name="c", subcore_axis_name="s", num_cores=_NC, num_subcores=_NS
)


@functools.partial(
    pl.kernel,
    out_type=jax.ShapeDtypeStruct((_B, _C, _W, _H), jnp.float32),
    mesh=_mesh,
    compiler_params=pltpu.CompilerParams(needs_layout_passes=False),
    scratch_types=[
        pltpu.VMEM((_K,), jnp.int32),
        pltpu.VMEM((_K,), jnp.int32),
        pltpu.VMEM((_K,), jnp.int32),
        pltpu.VMEM((_K,), jnp.int32),
        pltpu.VMEM((_CH,), jnp.int32),
        pltpu.VMEM((_P + 16,), jnp.int32),
        pltpu.VMEM((_P,), jnp.float32),
        pltpu.VMEM((_P,), jnp.float32),
        pltpu.VMEM((_XB, _H), jnp.float32),
        pltpu.VMEM((_XB, _H), jnp.float32),
        pltpu.SemaphoreType.DMA,
        pltpu.SemaphoreType.DMA,
        pltpu.SemaphoreType.DMA,
        pltpu.SemaphoreType.DMA,
        pltpu.SemaphoreType.DMA,
        pltpu.SemaphoreType.DMA,
    ],
)
def _pseudo_image_kernel(
    cyx_hbm, ft_hbm, out_hbm,
    yb0, yb1, xb0, xb1, mapv, listv, t0, t1, o0, o1,
    sc0, sc1, st0, st1, so0, so1,
):
    wid = lax.axis_index("s") * _NC + lax.axis_index("c")
    b = wid // 8
    r = wid % 8
    x0 = r * _XB
    xhi = x0 + jnp.where(r == 7, _XB7, _XB)

    ybufs, xbufs, csems = (yb0, yb1), (xb0, xb1), (sc0, sc1)
    tbufs, tsems = (t0, t1), (st0, st1)
    obufs, osems = (o0, o1), (so0, so1)
    i16 = lax.iota(jnp.int32, 16)

    def in_copies(k, par):
        offy = pl.multiple_of((b * 4 + 1) * _PS + k * _K, 8)
        offx = pl.multiple_of((b * 4 + 2) * _PS + k * _K, 8)
        return (
            pltpu.make_async_copy(
                cyx_hbm.at[pl.ds(offy, _K)], ybufs[par], csems[par]
            ),
            pltpu.make_async_copy(
                cyx_hbm.at[pl.ds(offx, _K)], xbufs[par], csems[par]
            ),
        )

    def in_start(k, par):
        cy, cx = in_copies(k, par)
        cy.start()
        cx.start()

    in_start(0, 0)
    in_start(1, 1)

    empty = jnp.full((16,), _P, dtype=jnp.int32)

    @plsc.parallel_loop(0, _NV, unroll=6)
    def _init_body(v):
        mapv[pl.ds(v * 16, 16)] = empty

    zero16 = jnp.zeros((16,), jnp.float32)
    nzrow = _H // 16

    @plsc.parallel_loop(0, _XB * nzrow, unroll=4)
    def _z0(t):
        o0[t // nzrow, pl.ds((t % nzrow) * 16, 16)] = zero16

    @plsc.parallel_loop(0, _XB * nzrow, unroll=4)
    def _z1(t):
        o1[t // nzrow, pl.ds((t % nzrow) * 16, 16)] = zero16

    def do_chunk(k, par):
        cy, cx = in_copies(k, par)
        cy.wait()
        cx.wait()
        yb, xb = ybufs[par], xbufs[par]
        base = k * _K

        def chunk_body(v, _):
            yv = yb[pl.ds(v * 16, 16)]
            xv = xb[pl.ds(v * 16, 16)]
            valid = (yv >= 0) & (yv < _H) & (xv >= x0) & (xv < xhi)
            flat = (xv - x0) * _H + yv
            p = base + v * 16 + i16
            plsc.store_scatter(mapv, [flat], p, mask=valid)
            for _r in range(2):
                rb = plsc.load_gather(mapv, [flat], mask=valid)
                m2 = valid & (p > rb)
                plsc.store_scatter(mapv, [flat], p, mask=m2)
            return 0

        lax.fori_loop(0, _VK, chunk_body, 0)

    def p1_body(i, _):
        do_chunk(2 * i, 0)

        @pl.when(i < _NK // 2 - 1)
        def _():
            in_start(2 * i + 2, 0)

        do_chunk(2 * i + 1, 1)

        @pl.when(i < _NK // 2 - 1)
        def _():
            in_start(2 * i + 3, 1)

        return 0

    lax.fori_loop(0, _NK // 2, p1_body, 0)

    @plsc.parallel_loop(0, _NV, unroll=2, carry=jnp.int32(0))
    def cnt(v, n):
        m = mapv[pl.ds(v * 16, 16)]
        keep = m != _P
        cell = v * 16 + i16
        w = ((cell // _H) << 23) | ((cell % _H) << 14) | m
        plsc.store_compressed(listv.at[pl.ds(n, 16)], w, mask=keep)
        return n + jnp.sum(keep.astype(jnp.int32))

    ngroups = (cnt + 15) // 16

    def tab_copy(c, par):
        off = pl.multiple_of((b * _C + c) * _PS, 8)
        return pltpu.make_async_copy(
            ft_hbm.at[pl.ds(off, _P)], tbufs[par], tsems[par]
        )

    def out_copy_full(c, par):
        return pltpu.make_async_copy(
            obufs[par].at[pl.ds(0, _XB), :],
            out_hbm.at[b, c, pl.ds(pl.multiple_of(x0, 8), _XB), :],
            osems[par],
        )

    def out_copy_last(c, par):
        return pltpu.make_async_copy(
            obufs[par].at[pl.ds(0, _XB7), :],
            out_hbm.at[b, c, pl.ds(pl.multiple_of(x0, 8), _XB7), :],
            osems[par],
        )

    def out_start(c, par):
        @pl.when(r < 7)
        def _():
            out_copy_full(c, par).start()

        @pl.when(r == 7)
        def _():
            out_copy_last(c, par).start()

    def out_wait(c, par):
        @pl.when(r < 7)
        def _():
            out_copy_full(c, par).wait()

        @pl.when(r == 7)
        def _():
            out_copy_last(c, par).wait()

    tab_copy(0, 0).start()
    tab_copy(1, 1).start()

    def do_channel(j, c, par):
        tb, ob = tbufs[par], obufs[par]
        tab_copy(c, par).wait()

        @pl.when(j > 0)
        def _():
            out_wait(c, par)

        @plsc.parallel_loop(0, ngroups, unroll=4)
        def _val_body(g):
            live = g * 16 + i16 < cnt
            w = listv[pl.ds(g * 16, 16)]
            xr = lax.shift_right_logical(w, 23)
            yc = lax.shift_right_logical(w, 14) & 0x1FF
            p = w & 0x3FFF
            vals = plsc.load_gather(tb, [p], mask=live)
            plsc.store_scatter(ob, [xr, yc], vals, mask=live)

        out_start(c, par)

        @pl.when(j < _C // 2 - 1)
        def _():
            tab_copy(c + 2, par).start()

    def p2_body(j, _):
        do_channel(j, 2 * j, 0)
        do_channel(j, 2 * j + 1, 1)
        return 0

    lax.fori_loop(0, _C // 2, p2_body, 0)

    out_wait(_C - 2, 0)
    out_wait(_C - 1, 1)


def _stage_body(x_ref, c_ref, o_ref, cyx_ref):
    for c in range(_C):
        o_ref[pl.ds(c * _PS, _P)] = x_ref[0, c, :]
    for col in range(4):
        cyx_ref[pl.ds(col * _PS, _P)] = c_ref[0, col, :]


_stage = pl.pallas_call(
    _stage_body,
    grid=(_B,),
    in_specs=[
        pl.BlockSpec((1, _C, _P), lambda b: (b, 0, 0)),
        pl.BlockSpec((1, 4, _P), lambda b: (b, 0, 0)),
    ],
    out_specs=[
        pl.BlockSpec((_C * _PS,), lambda b: (b,)),
        pl.BlockSpec((4 * _PS,), lambda b: (b,)),
    ],
    out_shape=[
        jax.ShapeDtypeStruct((_B * _C * _PS,), jnp.float32),
        jax.ShapeDtypeStruct((_B * 4 * _PS,), jnp.int32),
    ],
)


def kernel(pillar_features, coords):
    ft, cyx = _stage(
        jnp.transpose(pillar_features.astype(jnp.float32), (0, 2, 1)),
        jnp.transpose(coords.astype(jnp.int32), (0, 2, 1)),
    )
    out = _pseudo_image_kernel(cyx, ft)
    return jnp.transpose(out, (0, 1, 3, 2))

# --- scband reference (transcript-rebuilt; emitter-appended) ---
"""Pipeline reference for scband-pseudo-image-scatter-17815524343997 (READ-ONLY COPY).

The authoritative reference and input builder live on the scoring server;
editing this copy changes nothing except your own understanding.
"""

import jax, jax.numpy as jnp
import numpy as np

H, W = 496, 432
NUM_FEATURES = 64
B, P = 4, 12000

def setup_inputs(seed: int = 0) -> dict:
    key = jax.random.key(seed)
    k1, k2 = jax.random.split(key)
    pillar_features = jax.random.normal(k1, (B, P, NUM_FEATURES), dtype=jnp.float32)
    coords = jax.random.randint(k2, (B, P, 4), 0, 432, dtype=jnp.int64)
    return {"pillar_features": pillar_features, "coords": coords}

def reference(pillar_features, coords):
    # pillar_features: [B, P, C]; coords: [B, P, 4] with (batch_idx, y_idx, x_idx, ...)
    Bn, Pn, C = pillar_features.shape
    y = coords[:, :, 1].astype(jnp.int32)
    x = coords[:, :, 2].astype(jnp.int32)
    mask = (x >= 0) & (x < W) & (y >= 0) & (y < H)
    # route invalid pillars to out-of-bounds indices; mode='drop' discards them
    y_ = jnp.where(mask, y, H)
    x_ = jnp.where(mask, x, W)
    b_idx = jnp.arange(Bn, dtype=jnp.int32)[:, None]
    pseudo_image = jnp.zeros((Bn, C, H, W), dtype=pillar_features.dtype)
    # advanced indexing img[b, :, y, x] -> value shape (B, P, C); scatter-overwrite
    pseudo_image = pseudo_image.at[b_idx, :, y_, x_].set(pillar_features, mode='drop')
    return pseudo_image

if __name__ == "__main__":
    import jax
    _d = setup_inputs()
    print(jax.jit(kernel)(*tuple(_d.values())))

</pallas_src>

<mosaic_0001>
#map = affine_map<(d0, d1) -> (0)>
#map1 = affine_map<(d0, d1) -> (0, 0, 0, 0)>
module attributes {stable_mosaic.version = 14 : i64} {
  func.func @_pseudo_image_kernel(%arg0: i32, %arg1: i32, %arg2: memref<196608xi32, #tpu.memory_space<hbm>>, %arg3: memref<3145728xf32, #tpu.memory_space<hbm>>, %arg4: memref<4x64x432x496xf32, #tpu.memory_space<hbm>>, %arg5: memref<1200xi32, #tpu.memory_space<vmem>>, %arg6: memref<1200xi32, #tpu.memory_space<vmem>>, %arg7: memref<1200xi32, #tpu.memory_space<vmem>>, %arg8: memref<1200xi32, #tpu.memory_space<vmem>>, %arg9: memref<27776xi32, #tpu.memory_space<vmem>>, %arg10: memref<12016xi32, #tpu.memory_space<vmem>>, %arg11: memref<12000xf32, #tpu.memory_space<vmem>>, %arg12: memref<12000xf32, #tpu.memory_space<vmem>>, %arg13: memref<56x496xf32, #tpu.memory_space<vmem>>, %arg14: memref<56x496xf32, #tpu.memory_space<vmem>>, %arg15: memref<!tpu.dma_semaphore, #tpu.memory_space<semaphore_mem>>, %arg16: memref<!tpu.dma_semaphore, #tpu.memory_space<semaphore_mem>>, %arg17: memref<!tpu.dma_semaphore, #tpu.memory_space<semaphore_mem>>, %arg18: memref<!tpu.dma_semaphore, #tpu.memory_space<semaphore_mem>>, %arg19: memref<!tpu.dma_semaphore, #tpu.memory_space<semaphore_mem>>, %arg20: memref<!tpu.dma_semaphore, #tpu.memory_space<semaphore_mem>>) attributes {dimension_semantics = [#tpu.dimension_semantics<core_parallel>, #tpu.dimension_semantics<subcore_parallel>], iteration_bounds = array<i64: 2, 16>, scalar_prefetch = 0 : i64, scratch_operands = 16 : i64, tpu.core_type = #tpu.core_type<sc_vector_subcore>, window_params = [{transform_indices = #map}, {transform_indices = #map}, {transform_indices = #map1}]} {
    %mul3A = arith.constant 2 : i32
    %mul3A_0 = arith.muli %arg1, %mul3A : i32
    %add3A = arith.addi %mul3A_0, %arg0 : i32
    %jit3A = arith.constant 8 : i32
    %div3A = arith.divsi %add3A, %jit3A : i32
    %sign3A = arith.constant 0 : i32
    %sign3A_1 = arith.cmpi sgt, %add3A, %sign3A : i32
    %sign3A_2 = arith.extui %sign3A_1 : i1 to i32
    %sign3A_3 = arith.constant 0 : i32
    %sign3A_4 = arith.cmpi slt, %add3A, %sign3A_3 : i32
    %sign3A_5 = arith.extui %sign3A_4 : i1 to i32
    %sign3A_6 = arith.subi %sign3A_2, %sign3A_5 : i32
    %sign3A_7 = arith.constant 0 : i32
    %sign3A_8 = arith.cmpi sgt, %jit3A, %sign3A_7 : i32
    %sign3A_9 = arith.extui %sign3A_8 : i1 to i32
    %sign3A_10 = arith.constant 0 : i32
    %sign3A_11 = arith.cmpi slt, %jit3A, %sign3A_10 : i32
    %sign3A_12 = arith.extui %sign3A_11 : i1 to i32
    %sign3A_13 = arith.subi %sign3A_9, %sign3A_12 : i32
    %ne3A = arith.cmpi ne, %sign3A_6, %sign3A_13 : i32
    %rem3A = arith.remsi %add3A, %jit3A : i32
    %ne3A_14 = arith.constant 0 : i32
    %ne3A_15 = arith.cmpi ne, %rem3A, %ne3A_14 : i32
    %and3A = arith.andi %ne3A, %ne3A_15 : i1
    %sub3A = arith.constant 1 : i32
    %sub3A_16 = arith.subi %div3A, %sub3A : i32
    %select_n3A = arith.select %and3A, %sub3A_16, %div3A : i32
    %jit3A_17 = arith.constant 8 : i32
    %eq3A = arith.constant 0 : i32
    %eq3A_18 = arith.cmpi eq, %jit3A_17, %eq3A : i32
    %jit3A_19 = arith.constant 1 : i32
    %select_n3A_20 = arith.select %eq3A_18, %jit3A_19, %jit3A_17 : i32
    %rem3A_21 = arith.remsi %add3A, %select_n3A_20 : i32
    %ne3A_22 = arith.constant 0 : i32
    %ne3A_23 = arith.cmpi ne, %rem3A_21, %ne3A_22 : i32
    %lt3A = arith.constant 0 : i32
    %lt3A_24 = arith.cmpi slt, %rem3A_21, %lt3A : i32
    %lt3A_25 = arith.constant 0 : i32
    %lt3A_26 = arith.cmpi slt, %select_n3A_20, %lt3A_25 : i32
    %ne3A_27 = arith.xori %lt3A_24, %lt3A_26 : i1
    %and3A_28 = arith.andi %ne3A_27, %ne3A_23 : i1
    %add3A_29 = arith.addi %rem3A_21, %select_n3A_20 : i32
    %select_n3A_30 = arith.select %and3A_28, %add3A_29, %rem3A_21 : i32
    %mul3A_31 = arith.constant 56 : i32
    %mul3A_32 = arith.muli %select_n3A_30, %mul3A_31 : i32
    %eq3A_33 = arith.constant 7 : i32
    %eq3A_34 = arith.cmpi eq, %select_n3A_30, %eq3A_33 : i32
    %jit3A_35 = arith.constant 40 : i32
    %jit3A_36 = arith.constant 56 : i32
    %select_n3A_37 = arith.select %eq3A_34, %jit3A_35, %jit3A_36 : i32
    %add3A_38 = arith.addi %mul3A_32, %select_n3A_37 : i32
    %iota3A = tpu.iota {dimensions = array<i32: 0>} : vector<16xi32>
    %mul3A_39 = arith.constant 4 : i32
    %mul3A_40 = arith.muli %select_n3A, %mul3A_39 : i32
    %add3A_41 = arith.constant 1 : i32
    %add3A_42 = arith.addi %mul3A_40, %add3A_41 : i32
    %mul3A_43 = arith.constant 12288 : i32
    %mul3A_44 = arith.muli %add3A_42, %mul3A_43 : i32
    %add3A_45 = arith.constant 0 : i32
    %add3A_46 = arith.addi %mul3A_44, %add3A_45 : i32
    %multiple_of3A = tpu.assume_multiple %add3A_46, 8 : i32
    %mul3A_47 = arith.constant 4 : i32
    %mul3A_48 = arith.muli %select_n3A, %mul3A_47 : i32
    %add3A_49 = arith.constant 2 : i32
    %add3A_50 = arith.addi %mul3A_48, %add3A_49 : i32
    %mul3A_51 = arith.constant 12288 : i32
    %mul3A_52 = arith.muli %add3A_50, %mul3A_51 : i32
    %add3A_53 = arith.constant 0 : i32
    %add3A_54 = arith.addi %mul3A_52, %add3A_53 : i32
    %multiple_of3A_55 = tpu.assume_multiple %add3A_54, 8 : i32
    %dma_start3A = tpu.memref_slice %arg2[%multiple_of3A] : memref<196608xi32, #tpu.memory_space<hbm>> -> memref<1200xi32, #tpu.memory_space<hbm>>
    %dma_start3A_56 = tpu.memref_slice %arg2[%multiple_of3A] : memref<196608xi32, #tpu.memory_space<hbm>> -> memref<1200xi32, #tpu.memory_space<hbm>>
    tpu.enqueue_dma source(%dma_start3A_56 : memref<1200xi32, #tpu.memory_space<hbm>>) target(%arg5 : memref<1200xi32, #tpu.memory_space<vmem>>) target_semaphore(%arg15 : memref<!tpu.dma_semaphore, #tpu.memory_space<semaphore_mem>>)
    %dma_start3A_57 = tpu.memref_slice %arg2[%multiple_of3A_55] : memref<196608xi32, #tpu.memory_space<hbm>> -> memref<1200xi32, #tpu.memory_space<hbm>>
    %dma_start3A_58 = tpu.memref_slice %arg2[%multiple_of3A_55] : memref<196608xi32, #tpu.memory_space<hbm>> -> memref<1200xi32, #tpu.memory_space<hbm>>
    tpu.enqueue_dma source(%dma_start3A_58 : memref<1200xi32, #tpu.memory_space<hbm>>) target(%arg7 : memref<1200xi32, #tpu.memory_space<vmem>>) target_semaphore(%arg15 : memref<!tpu.dma_semaphore, #tpu.memory_space<semaphore_mem>>)
    %mul3A_59 = arith.constant 4 : i32
    %mul3A_60 = arith.muli %select_n3A, %mul3A_59 : i32
    %add3A_61 = arith.constant 1 : i32
    %add3A_62 = arith.addi %mul3A_60, %add3A_61 : i32
    %mul3A_63 = arith.constant 12288 : i32
    %mul3A_64 = arith.muli %add3A_62, %mul3A_63 : i32
    %add3A_65 = arith.constant 1200 : i32
    %add3A_66 = arith.addi %mul3A_64, %add3A_65 : i32
    %multiple_of3A_67 = tpu.assume_multiple %add3A_66, 8 : i32
    %mul3A_68 = arith.constant 4 : i32
    %mul3A_69 = arith.muli %select_n3A, %mul3A_68 : i32
    %add3A_70 = arith.constant 2 : i32
    %add3A_71 = arith.addi %mul3A_69, %add3A_70 : i32
    %mul3A_72 = arith.constant 12288 : i32
    %mul3A_73 = arith.muli %add3A_71, %mul3A_72 : i32
    %add3A_74 = arith.constant 1200 : i32
    %add3A_75 = arith.addi %mul3A_73, %add3A_74 : i32
    %multiple_of3A_76 = tpu.assume_multiple %add3A_75, 8 : i32
    %dma_start3A_77 = tpu.memref_slice %arg2[%multiple_of3A_67] : memref<196608xi32, #tpu.memory_space<hbm>> -> memref<1200xi32, #tpu.memory_space<hbm>>
    %dma_start3A_78 = tpu.memref_slice %arg2[%multiple_of3A_67] : memref<196608xi32, #tpu.memory_space<hbm>> -> memref<1200xi32, #tpu.memory_space<hbm>>
    tpu.enqueue_dma source(%dma_start3A_78 : memref<1200xi32, #tpu.memory_space<hbm>>) target(%arg6 : memref<1200xi32, #tpu.memory_space<vmem>>) target_semaphore(%arg16 : memref<!tpu.dma_semaphore, #tpu.memory_space<semaphore_mem>>)
    %dma_start3A_79 = tpu.memref_slice %arg2[%multiple_of3A_76] : memref<196608xi32, #tpu.memory_space<hbm>> -> memref<1200xi32, #tpu.memory_space<hbm>>
    %dma_start3A_80 = tpu.memref_slice %arg2[%multiple_of3A_76] : memref<196608xi32, #tpu.memory_space<hbm>> -> memref<1200xi32, #tpu.memory_space<hbm>>
    tpu.enqueue_dma source(%dma_start3A_80 : memref<1200xi32, #tpu.memory_space<hbm>>) target(%arg8 : memref<1200xi32, #tpu.memory_space<vmem>>) target_semaphore(%arg16 : memref<!tpu.dma_semaphore, #tpu.memory_space<semaphore_mem>>)
    %broadcast_in_dim3A = arith.constant 12000 : i32
    %broadcast_in_dim3A_81 = vector.broadcast %broadcast_in_dim3A : i32 to vector<16xi32>
    %parallel_loop3A = arith.constant 0 : i32
    %parallel_loop3A_82 = arith.constant 1736 : i32
    %parallel_loop3A_83 = arith.constant 1 : i32
    scf.for %parallel_loop3A_172 = %parallel_loop3A to %parallel_loop3A_82 step %parallel_loop3A_83  : i32 {
      %parallel_loop3A_173 = arith.constant 16 : i32
      %parallel_loop3A_174 = arith.muli %parallel_loop3A_172, %parallel_loop3A_173 : i32
      %parallel_loop3A_175 = arith.index_cast %parallel_loop3A_174 : i32 to index
      %parallel_loop3A_176 = tpu.vector_load %arg9[%parallel_loop3A_175] {strides = array<i32>} : memref<27776xi32, #tpu.memory_space<vmem>>, vector<16xi32>,
      tpu.vector_store %arg9[%parallel_loop3A_175], %broadcast_in_dim3A_81 {strides = array<i32>} : memref<27776xi32, #tpu.memory_space<vmem>>, vector<16xi32>,
    } {sc.loop_unroll_factor = 6 : i64, sc.parallel_access}
    %broadcast_in_dim3A_84 = arith.constant 0.000000e+00 : f32
    %broadcast_in_dim3A_85 = vector.broadcast %broadcast_in_dim3A_84 : f32 to vector<16xf32>
    %parallel_loop3A_86 = arith.constant 0 : i32
    %parallel_loop3A_87 = arith.constant 1736 : i32
    %parallel_loop3A_88 = arith.constant 1 : i32
    scf.for %parallel_loop3A_172 = %parallel_loop3A_86 to %parallel_loop3A_87 step %parallel_loop3A_88  : i32 {
      %parallel_loop3A_173 = arith.constant 31 : i32
      %parallel_loop3A_174 = arith.divsi %parallel_loop3A_172, %parallel_loop3A_173 : i32
      %parallel_loop3A_175 = arith.constant 0 : i32
      %parallel_loop3A_176 = arith.cmpi sgt, %parallel_loop3A_172, %parallel_loop3A_175 : i32
      %parallel_loop3A_177 = arith.extui %parallel_loop3A_176 : i1 to i32
      %parallel_loop3A_178 = arith.constant 0 : i32
      %parallel_loop3A_179 = arith.cmpi slt, %parallel_loop3A_172, %parallel_loop3A_178 : i32
      %parallel_loop3A_180 = arith.extui %parallel_loop3A_179 : i1 to i32
      %parallel_loop3A_181 = arith.subi %parallel_loop3A_177, %parallel_loop3A_180 : i32
      %parallel_loop3A_182 = arith.constant 0 : i32
      %parallel_loop3A_183 = arith.cmpi sgt, %parallel_loop3A_173, %parallel_loop3A_182 : i32
      %parallel_loop3A_184 = arith.extui %parallel_loop3A_183 : i1 to i32
      %parallel_loop3A_185 = arith.constant 0 : i32
      %parallel_loop3A_186 = arith.cmpi slt, %parallel_loop3A_173, %parallel_loop3A_185 : i32
      %parallel_loop3A_187 = arith.extui %parallel_loop3A_186 : i1 to i32
      %parallel_loop3A_188 = arith.subi %parallel_loop3A_184, %parallel_loop3A_187 : i32
      %parallel_loop3A_189 = arith.cmpi ne, %parallel_loop3A_181, %parallel_loop3A_188 : i32
      %parallel_loop3A_190 = arith.remsi %parallel_loop3A_172, %parallel_loop3A_173 : i32
      %parallel_loop3A_191 = arith.constant 0 : i32
      %parallel_loop3A_192 = arith.cmpi ne, %parallel_loop3A_190, %parallel_loop3A_191 : i32
      %parallel_loop3A_193 = arith.andi %parallel_loop3A_189, %parallel_loop3A_192 : i1
      %parallel_loop3A_194 = arith.constant 1 : i32
      %parallel_loop3A_195 = arith.subi %parallel_loop3A_174, %parallel_loop3A_194 : i32
      %parallel_loop3A_196 = arith.select %parallel_loop3A_193, %parallel_loop3A_195, %parallel_loop3A_174 : i32
      %parallel_loop3A_197 = arith.constant 31 : i32
      %parallel_loop3A_198 = arith.constant 0 : i32
      %parallel_loop3A_199 = arith.cmpi eq, %parallel_loop3A_197, %parallel_loop3A_198 : i32
      %parallel_loop3A_200 = arith.constant 1 : i32
      %parallel_loop3A_201 = arith.select %parallel_loop3A_199, %parallel_loop3A_200, %parallel_loop3A_197 : i32
      %parallel_loop3A_202 = arith.remsi %parallel_loop3A_172, %parallel_loop3A_201 : i32
      %parallel_loop3A_203 = arith.constant 0 : i32
      %parallel_loop3A_204 = arith.cmpi ne, %parallel_loop3A_202, %parallel_loop3A_203 : i32
      %parallel_loop3A_205 = arith.constant 0 : i32
      %parallel_loop3A_206 = arith.cmpi slt, %parallel_loop3A_202, %parallel_loop3A_205 : i32
      %parallel_loop3A_207 = arith.constant 0 : i32
      %parallel_loop3A_208 = arith.cmpi slt, %parallel_loop3A_201, %parallel_loop3A_207 : i32
      %parallel_loop3A_209 = arith.xori %parallel_loop3A_206, %parallel_loop3A_208 : i1
      %parallel_loop3A_210 = arith.andi %parallel_loop3A_209, %parallel_loop3A_204 : i1
      %parallel_loop3A_211 = arith.addi %parallel_loop3A_202, %parallel_loop3A_201 : i32
      %parallel_loop3A_212 = arith.select %parallel_loop3A_210, %parallel_loop3A_211, %parallel_loop3A_202 : i32
      %parallel_loop3A_213 = arith.constant 16 : i32
      %parallel_loop3A_214 = arith.muli %parallel_loop3A_212, %parallel_loop3A_213 : i32
      %parallel_loop3A_215 = arith.index_cast %parallel_loop3A_196 : i32 to index
      %parallel_loop3A_216 = arith.index_cast %parallel_loop3A_214 : i32 to index
      %parallel_loop3A_217 = tpu.vector_load %arg13[%parallel_loop3A_215, %parallel_loop3A_216] {strides = array<i32>} : memref<56x496xf32, #tpu.memory_space<vmem>>, vector<16xf32>,
      tpu.vector_store %arg13[%parallel_loop3A_215, %parallel_loop3A_216], %broadcast_in_dim3A_85 {strides = array<i32>} : memref<56x496xf32, #tpu.memory_space<vmem>>, vector<16xf32>,
    } {sc.loop_unroll_factor = 4 : i64, sc.parallel_access}
    %parallel_loop3A_89 = arith.constant 0 : i32
    %parallel_loop3A_90 = arith.constant 1736 : i32
    %parallel_loop3A_91 = arith.constant 1 : i32
    scf.for %parallel_loop3A_172 = %parallel_loop3A_89 to %parallel_loop3A_90 step %parallel_loop3A_91  : i32 {
      %parallel_loop3A_173 = arith.constant 31 : i32
      %parallel_loop3A_174 = arith.divsi %parallel_loop3A_172, %parallel_loop3A_173 : i32
      %parallel_loop3A_175 = arith.constant 0 : i32
      %parallel_loop3A_176 = arith.cmpi sgt, %parallel_loop3A_172, %parallel_loop3A_175 : i32
      %parallel_loop3A_177 = arith.extui %parallel_loop3A_176 : i1 to i32
      %parallel_loop3A_178 = arith.constant 0 : i32
      %parallel_loop3A_179 = arith.cmpi slt, %parallel_loop3A_172, %parallel_loop3A_178 : i32
      %parallel_loop3A_180 = arith.extui %parallel_loop3A_179 : i1 to i32
      %parallel_loop3A_181 = arith.subi %parallel_loop3A_177, %parallel_loop3A_180 : i32
      %parallel_loop3A_182 = arith.constant 0 : i32
      %parallel_loop3A_183 = arith.cmpi sgt, %parallel_loop3A_173, %parallel_loop3A_182 : i32
      %parallel_loop3A_184 = arith.extui %parallel_loop3A_183 : i1 to i32
      %parallel_loop3A_185 = arith.constant 0 : i32
      %parallel_loop3A_186 = arith.cmpi slt, %parallel_loop3A_173, %parallel_loop3A_185 : i32
      %parallel_loop3A_187 = arith.extui %parallel_loop3A_186 : i1 to i32
      %parallel_loop3A_188 = arith.subi %parallel_loop3A_184, %parallel_loop3A_187 : i32
      %parallel_loop3A_189 = arith.cmpi ne, %parallel_loop3A_181, %parallel_loop3A_188 : i32
      %parallel_loop3A_190 = arith.remsi %parallel_loop3A_172, %parallel_loop3A_173 : i32
      %parallel_loop3A_191 = arith.constant 0 : i32
      %parallel_loop3A_192 = arith.cmpi ne, %parallel_loop3A_190, %parallel_loop3A_191 : i32
      %parallel_loop3A_193 = arith.andi %parallel_loop3A_189, %parallel_loop3A_192 : i1
      %parallel_loop3A_194 = arith.constant 1 : i32
      %parallel_loop3A_195 = arith.subi %parallel_loop3A_174, %parallel_loop3A_194 : i32
      %parallel_loop3A_196 = arith.select %parallel_loop3A_193, %parallel_loop3A_195, %parallel_loop3A_174 : i32
      %parallel_loop3A_197 = arith.constant 31 : i32
      %parallel_loop3A_198 = arith.constant 0 : i32
      %parallel_loop3A_199 = arith.cmpi eq, %parallel_loop3A_197, %parallel_loop3A_198 : i32
      %parallel_loop3A_200 = arith.constant 1 : i32
      %parallel_loop3A_201 = arith.select %parallel_loop3A_199, %parallel_loop3A_200, %parallel_loop3A_197 : i32
      %parallel_loop3A_202 = arith.remsi %parallel_loop3A_172, %parallel_loop3A_201 : i32
      %parallel_loop3A_203 = arith.constant 0 : i32
      %parallel_loop3A_204 = arith.cmpi ne, %parallel_loop3A_202, %parallel_loop3A_203 : i32
      %parallel_loop3A_205 = arith.constant 0 : i32
      %parallel_loop3A_206 = arith.cmpi slt, %parallel_loop3A_202, %parallel_loop3A_205 : i32
      %parallel_loop3A_207 = arith.constant 0 : i32
      %parallel_loop3A_208 = arith.cmpi slt, %parallel_loop3A_201, %parallel_loop3A_207 : i32
      %parallel_loop3A_209 = arith.xori %parallel_loop3A_206, %parallel_loop3A_208 : i1
      %parallel_loop3A_210 = arith.andi %parallel_loop3A_209, %parallel_loop3A_204 : i1
      %parallel_loop3A_211 = arith.addi %parallel_loop3A_202, %parallel_loop3A_201 : i32
      %parallel_loop3A_212 = arith.select %parallel_loop3A_210, %parallel_loop3A_211, %parallel_loop3A_202 : i32
      %parallel_loop3A_213 = arith.constant 16 : i32
      %parallel_loop3A_214 = arith.muli %parallel_loop3A_212, %parallel_loop3A_213 : i32
      %parallel_loop3A_215 = arith.index_cast %parallel_loop3A_196 : i32 to index
      %parallel_loop3A_216 = arith.index_cast %parallel_loop3A_214 : i32 to index
      %parallel_loop3A_217 = tpu.vector_load %arg14[%parallel_loop3A_215, %parallel_loop3A_216] {strides = array<i32>} : memref<56x496xf32, #tpu.memory_space<vmem>>, vector<16xf32>,
      tpu.vector_store %arg14[%parallel_loop3A_215, %parallel_loop3A_216], %broadcast_in_dim3A_85 {strides = array<i32>} : memref<56x496xf32, #tpu.memory_space<vmem>>, vector<16xf32>,
    } {sc.loop_unroll_factor = 4 : i64, sc.parallel_access}
    %scan3A = arith.constant 0 : i32
    %scan3A_92 = arith.constant 0 : i32
    %scan3A_93 = arith.constant 5 : i32
    %scan3A_94 = arith.addi %scan3A_92, %scan3A_93 : i32
    %scan3A_95 = arith.constant 1 : i32
    %scan3A_96 = scf.for %scan3A_172 = %scan3A_92 to %scan3A_94 step %scan3A_95 iter_args(%scan3A_173 = %scan3A) -> (i32)  : i32 {
      %mul3A_174 = arith.constant 2 : i32
      %mul3A_175 = arith.muli %mul3A_174, %scan3A_172 : i32
      %mul3A_176 = arith.constant 4 : i32
      %mul3A_177 = arith.muli %select_n3A, %mul3A_176 : i32
      %add3A_178 = arith.constant 1 : i32
      %add3A_179 = arith.addi %mul3A_177, %add3A_178 : i32
      %mul3A_180 = arith.constant 12288 : i32
      %mul3A_181 = arith.muli %add3A_179, %mul3A_180 : i32
      %mul3A_182 = arith.constant 1200 : i32
      %mul3A_183 = arith.muli %mul3A_175, %mul3A_182 : i32
      %add3A_184 = arith.addi %mul3A_181, %mul3A_183 : i32
      %multiple_of3A_185 = tpu.assume_multiple %add3A_184, 8 : i32
      %mul3A_186 = arith.constant 4 : i32
      %mul3A_187 = arith.muli %select_n3A, %mul3A_186 : i32
      %add3A_188 = arith.constant 2 : i32
      %add3A_189 = arith.addi %mul3A_187, %add3A_188 : i32
      %mul3A_190 = arith.constant 12288 : i32
      %mul3A_191 = arith.muli %add3A_189, %mul3A_190 : i32
      %mul3A_192 = arith.constant 1200 : i32
      %mul3A_193 = arith.muli %mul3A_175, %mul3A_192 : i32
      %add3A_194 = arith.addi %mul3A_191, %mul3A_193 : i32
      %multiple_of3A_195 = tpu.assume_multiple %add3A_194, 8 : i32
      %dma_wait3A = tpu.memref_slice %arg2[%multiple_of3A_185] : memref<196608xi32, #tpu.memory_space<hbm>> -> memref<1200xi32, #tpu.memory_space<hbm>>
      %dma_wait3A_196 = tpu.memref_slice %arg2[%multiple_of3A_185] : memref<196608xi32, #tpu.memory_space<hbm>> -> memref<1200xi32, #tpu.memory_space<hbm>>
      tpu.wait_dma2 semaphore(%arg15 : memref<!tpu.dma_semaphore, #tpu.memory_space<semaphore_mem>>) src(%dma_wait3A_196 : memref<1200xi32, #tpu.memory_space<hbm>>) dst(%arg5 : memref<1200xi32, #tpu.memory_space<vmem>>)
      %dma_wait3A_197 = tpu.memref_slice %arg2[%multiple_of3A_195] : memref<196608xi32, #tpu.memory_space<hbm>> -> memref<1200xi32, #tpu.memory_space<hbm>>
      %dma_wait3A_198 = tpu.memref_slice %arg2[%multiple_of3A_195] : memref<196608xi32, #tpu.memory_space<hbm>> -> memref<1200xi32, #tpu.memory_space<hbm>>
      tpu.wait_dma2 semaphore(%arg15 : memref<!tpu.dma_semaphore, #tpu.memory_space<semaphore_mem>>) src(%dma_wait3A_198 : memref<1200xi32, #tpu.memory_space<hbm>>) dst(%arg7 : memref<1200xi32, #tpu.memory_space<vmem>>)
      %mul3A_199 = arith.constant 1200 : i32
      %mul3A_200 = arith.muli %mul3A_175, %mul3A_199 : i32
      %scan3A_201 = arith.constant 0 : i32
      %scan3A_202 = arith.constant 0 : i32
      %scan3A_203 = arith.constant 75 : i32
      %scan3A_204 = arith.addi %scan3A_202, %scan3A_203 : i32
      %scan3A_205 = arith.constant 1 : i32
      %scan3A_206 = scf.for %scan3A_256 = %scan3A_202 to %scan3A_204 step %scan3A_205 iter_args(%scan3A_257 = %scan3A_201) -> (i32)  : i32 {
        %mul3A_258 = arith.constant 16 : i32
        %mul3A_259 = arith.muli %scan3A_256, %mul3A_258 : i32
        %get3A = arith.index_cast %mul3A_259 : i32 to index
        %get3A_260 = tpu.vector_load %arg5[%get3A] {strides = array<i32>} : memref<1200xi32, #tpu.memory_space<vmem>>, vector<16xi32>,
        %mul3A_261 = arith.constant 16 : i32
        %mul3A_262 = arith.muli %scan3A_256, %mul3A_261 : i32
        %get3A_263 = arith.index_cast %mul3A_262 : i32 to index
        %get3A_264 = tpu.vector_load %arg7[%get3A_263] {strides = array<i32>} : memref<1200xi32, #tpu.memory_space<vmem>>, vector<16xi32>,
        %ge3A = arith.constant 0 : i32
        %ge3A_265 = vector.broadcast %ge3A : i32 to vector<16xi32>
        %ge3A_266 = arith.cmpi sge, %get3A_260, %ge3A_265 : vector<16xi32>
        %lt3A_267 = arith.constant 496 : i32
        %lt3A_268 = vector.broadcast %lt3A_267 : i32 to vector<16xi32>
        %lt3A_269 = arith.cmpi slt, %get3A_260, %lt3A_268 : vector<16xi32>
        %and3A_270 = arith.andi %ge3A_266, %lt3A_269 : vector<16xi1>
        %ge3A_271 = vector.broadcast %mul3A_32 : i32 to vector<16xi32>
        %ge3A_272 = arith.cmpi sge, %get3A_264, %ge3A_271 : vector<16xi32>
        %and3A_273 = arith.andi %and3A_270, %ge3A_272 : vector<16xi1>
        %lt3A_274 = vector.broadcast %add3A_38 : i32 to vector<16xi32>
        %lt3A_275 = arith.cmpi slt, %get3A_264, %lt3A_274 : vector<16xi32>
        %and3A_276 = arith.andi %and3A_273, %lt3A_275 : vector<16xi1>
        %sub3A_277 = vector.broadcast %mul3A_32 : i32 to vector<16xi32>
        %sub3A_278 = arith.subi %get3A_264, %sub3A_277 : vector<16xi32>
        %mul3A_279 = arith.constant 496 : i32
        %mul3A_280 = vector.broadcast %mul3A_279 : i32 to vector<16xi32>
        %mul3A_281 = arith.muli %sub3A_278, %mul3A_280 : vector<16xi32>
        %add3A_282 = arith.addi %mul3A_281, %get3A_260 : vector<16xi32>
        %mul3A_283 = arith.constant 16 : i32
        %mul3A_284 = arith.muli %scan3A_256, %mul3A_283 : i32
        %add3A_285 = arith.addi %mul3A_200, %mul3A_284 : i32
        %add3A_286 = vector.broadcast %add3A_285 : i32 to vector<16xi32>
        %add3A_287 = arith.addi %add3A_286, %iota3A : vector<16xi32>
        tpu.vector_store_idx %arg9[%add3A_282], %add3A_287 masked %and3A_276 : memref<27776xi32, #tpu.memory_space<vmem>>[vector<16xi32>], vector<16xi32>, vector<16xi1>
        %gather3A = tpu.vector_load_idx %arg9[%add3A_282] masked %and3A_276 : memref<27776xi32, #tpu.memory_space<vmem>>[vector<16xi32>], vector<16xi32>, vector<16xi1>
        %gt3A = arith.cmpi sgt, %add3A_287, %gather3A : vector<16xi32>
        %and3A_288 = arith.andi %and3A_276, %gt3A : vector<16xi1>
        tpu.vector_store_idx %arg9[%add3A_282], %add3A_287 masked %and3A_288 : memref<27776xi32, #tpu.memory_space<vmem>>[vector<16xi32>], vector<16xi32>, vector<16xi1>
        %gather3A_289 = tpu.vector_load_idx %arg9[%add3A_282] masked %and3A_276 : memref<27776xi32, #tpu.memory_space<vmem>>[vector<16xi32>], vector<16xi32>, vector<16xi1>
        %gt3A_290 = arith.cmpi sgt, %add3A_287, %gather3A_289 : vector<16xi32>
        %and3A_291 = arith.andi %and3A_276, %gt3A_290 : vector<16xi1>
        tpu.vector_store_idx %arg9[%add3A_282], %add3A_287 masked %and3A_291 : memref<27776xi32, #tpu.memory_space<vmem>>[vector<16xi32>], vector<16xi32>, vector<16xi1>
        %scan3A_292 = arith.constant 0 : i32
        scf.yield %scan3A_292 : i32
      }
      %scan3A_207 = arith.constant 75 : i32
      %lt3A_208 = arith.constant 4 : i32
      %lt3A_209 = arith.cmpi slt, %scan3A_172, %lt3A_208 : i32
      %convert_element_type3A_210 = arith.extui %lt3A_209 : i1 to i32
      %cond3A_211 = arith.constant 0 : i32
      %cond3A_212 = arith.cmpi ne, %convert_element_type3A_210, %cond3A_211 : i32
      scf.if %cond3A_212 {
        %mul3A_256 = arith.constant 2 : i32
        %mul3A_257 = arith.muli %mul3A_256, %scan3A_172 : i32
        %add3A_258 = arith.constant 2 : i32
        %add3A_259 = arith.addi %mul3A_257, %add3A_258 : i32
        %mul3A_260 = arith.constant 4 : i32
        %mul3A_261 = arith.muli %select_n3A, %mul3A_260 : i32
        %add3A_262 = arith.constant 1 : i32
        %add3A_263 = arith.addi %mul3A_261, %add3A_262 : i32
        %mul3A_264 = arith.constant 12288 : i32
        %mul3A_265 = arith.muli %add3A_263, %mul3A_264 : i32
        %mul3A_266 = arith.constant 1200 : i32
        %mul3A_267 = arith.muli %add3A_259, %mul3A_266 : i32
        %add3A_268 = arith.addi %mul3A_265, %mul3A_267 : i32
        %multiple_of3A_269 = tpu.assume_multiple %add3A_268, 8 : i32
        %mul3A_270 = arith.constant 4 : i32
        %mul3A_271 = arith.muli %select_n3A, %mul3A_270 : i32
        %add3A_272 = arith.constant 2 : i32
        %add3A_273 = arith.addi %mul3A_271, %add3A_272 : i32
        %mul3A_274 = arith.constant 12288 : i32
        %mul3A_275 = arith.muli %add3A_273, %mul3A_274 : i32
        %mul3A_276 = arith.constant 1200 : i32
        %mul3A_277 = arith.muli %add3A_259, %mul3A_276 : i32
        %add3A_278 = arith.addi %mul3A_275, %mul3A_277 : i32
        %multiple_of3A_279 = tpu.assume_multiple %add3A_278, 8 : i32
        %dma_start3A_280 = tpu.memref_slice %arg2[%multiple_of3A_269] : memref<196608xi32, #tpu.memory_space<hbm>> -> memref<1200xi32, #tpu.memory_space<hbm>>
        %dma_start3A_281 = tpu.memref_slice %arg2[%multiple_of3A_269] : memref<196608xi32, #tpu.memory_space<hbm>> -> memref<1200xi32, #tpu.memory_space<hbm>>
        tpu.enqueue_dma source(%dma_start3A_281 : memref<1200xi32, #tpu.memory_space<hbm>>) target(%arg5 : memref<1200xi32, #tpu.memory_space<vmem>>) target_semaphore(%arg15 : memref<!tpu.dma_semaphore, #tpu.memory_space<semaphore_mem>>)
        %dma_start3A_282 = tpu.memref_slice %arg2[%multiple_of3A_279] : memref<196608xi32, #tpu.memory_space<hbm>> -> memref<1200xi32, #tpu.memory_space<hbm>>
        %dma_start3A_283 = tpu.memref_slice %arg2[%multiple_of3A_279] : memref<196608xi32, #tpu.memory_space<hbm>> -> memref<1200xi32, #tpu.memory_space<hbm>>
        tpu.enqueue_dma source(%dma_start3A_283 : memref<1200xi32, #tpu.memory_space<hbm>>) target(%arg7 : memref<1200xi32, #tpu.memory_space<vmem>>) target_semaphore(%arg15 : memref<!tpu.dma_semaphore, #tpu.memory_space<semaphore_mem>>)
      } else {
      }
      %mul3A_213 = arith.constant 2 : i32
      %mul3A_214 = arith.muli %mul3A_213, %scan3A_172 : i32
      %add3A_215 = arith.constant 1 : i32
      %add3A_216 = arith.addi %mul3A_214, %add3A_215 : i32
      %mul3A_217 = arith.constant 4 : i32
      %mul3A_218 = arith.muli %select_n3A, %mul3A_217 : i32
      %add3A_219 = arith.constant 1 : i32
      %add3A_220 = arith.addi %mul3A_218, %add3A_219 : i32
      %mul3A_221 = arith.constant 12288 : i32
      %mul3A_222 = arith.muli %add3A_220, %mul3A_221 : i32
      %mul3A_223 = arith.constant 1200 : i32
      %mul3A_224 = arith.muli %add3A_216, %mul3A_223 : i32
      %add3A_225 = arith.addi %mul3A_222, %mul3A_224 : i32
      %multiple_of3A_226 = tpu.assume_multiple %add3A_225, 8 : i32
      %mul3A_227 = arith.constant 4 : i32
      %mul3A_228 = arith.muli %select_n3A, %mul3A_227 : i32
      %add3A_229 = arith.constant 2 : i32
      %add3A_230 = arith.addi %mul3A_228, %add3A_229 : i32
      %mul3A_231 = arith.constant 12288 : i32
      %mul3A_232 = arith.muli %add3A_230, %mul3A_231 : i32
      %mul3A_233 = arith.constant 1200 : i32
      %mul3A_234 = arith.muli %add3A_216, %mul3A_233 : i32
      %add3A_235 = arith.addi %mul3A_232, %mul3A_234 : i32
      %multiple_of3A_236 = tpu.assume_multiple %add3A_235, 8 : i32
      %dma_wait3A_237 = tpu.memref_slice %arg2[%multiple_of3A_226] : memref<196608xi32, #tpu.memory_space<hbm>> -> memref<1200xi32, #tpu.memory_space<hbm>>
      %dma_wait3A_238 = tpu.memref_slice %arg2[%multiple_of3A_226] : memref<196608xi32, #tpu.memory_space<hbm>> -> memref<1200xi32, #tpu.memory_space<hbm>>
      tpu.wait_dma2 semaphore(%arg16 : memref<!tpu.dma_semaphore, #tpu.memory_space<semaphore_mem>>) src(%dma_wait3A_238 : memref<1200xi32, #tpu.memory_space<hbm>>) dst(%arg6 : memref<1200xi32, #tpu.memory_space<vmem>>)
      %dma_wait3A_239 = tpu.memref_slice %arg2[%multiple_of3A_236] : memref<196608xi32, #tpu.memory_space<hbm>> -> memref<1200xi32, #tpu.memory_space<hbm>>
      %dma_wait3A_240 = tpu.memref_slice %arg2[%multiple_of3A_236] : memref<196608xi32, #tpu.memory_space<hbm>> -> memref<1200xi32, #tpu.memory_space<hbm>>
      tpu.wait_dma2 semaphore(%arg16 : memref<!tpu.dma_semaphore, #tpu.memory_space<semaphore_mem>>) src(%dma_wait3A_240 : memref<1200xi32, #tpu.memory_space<hbm>>) dst(%arg8 : memref<1200xi32, #tpu.memory_space<vmem>>)
      %mul3A_241 = arith.constant 1200 : i32
      %mul3A_242 = arith.muli %add3A_216, %mul3A_241 : i32
      %scan3A_243 = arith.constant 0 : i32
      %scan3A_244 = arith.constant 0 : i32
      %scan3A_245 = arith.constant 75 : i32
      %scan3A_246 = arith.addi %scan3A_244, %scan3A_245 : i32
      %scan3A_247 = arith.constant 1 : i32
      %scan3A_248 = scf.for %scan3A_256 = %scan3A_244 to %scan3A_246 step %scan3A_247 iter_args(%scan3A_257 = %scan3A_243) -> (i32)  : i32 {
        %mul3A_258 = arith.constant 16 : i32
        %mul3A_259 = arith.muli %scan3A_256, %mul3A_258 : i32
        %get3A = arith.index_cast %mul3A_259 : i32 to index
        %get3A_260 = tpu.vector_load %arg6[%get3A] {strides = array<i32>} : memref<1200xi32, #tpu.memory_space<vmem>>, vector<16xi32>,
        %mul3A_261 = arith.constant 16 : i32
        %mul3A_262 = arith.muli %scan3A_256, %mul3A_261 : i32
        %get3A_263 = arith.index_cast %mul3A_262 : i32 to index
        %get3A_264 = tpu.vector_load %arg8[%get3A_263] {strides = array<i32>} : memref<1200xi32, #tpu.memory_space<vmem>>, vector<16xi32>,
        %ge3A = arith.constant 0 : i32
        %ge3A_265 = vector.broadcast %ge3A : i32 to vector<16xi32>
        %ge3A_266 = arith.cmpi sge, %get3A_260, %ge3A_265 : vector<16xi32>
        %lt3A_267 = arith.constant 496 : i32
        %lt3A_268 = vector.broadcast %lt3A_267 : i32 to vector<16xi32>
        %lt3A_269 = arith.cmpi slt, %get3A_260, %lt3A_268 : vector<16xi32>
        %and3A_270 = arith.andi %ge3A_266, %lt3A_269 : vector<16xi1>
        %ge3A_271 = vector.broadcast %mul3A_32 : i32 to vector<16xi32>
        %ge3A_272 = arith.cmpi sge, %get3A_264, %ge3A_271 : vector<16xi32>
        %and3A_273 = arith.andi %and3A_270, %ge3A_272 : vector<16xi1>
        %lt3A_274 = vector.broadcast %add3A_38 : i32 to vector<16xi32>
        %lt3A_275 = arith.cmpi slt, %get3A_264, %lt3A_274 : vector<16xi32>
        %and3A_276 = arith.andi %and3A_273, %lt3A_275 : vector<16xi1>
        %sub3A_277 = vector.broadcast %mul3A_32 : i32 to vector<16xi32>
        %sub3A_278 = arith.subi %get3A_264, %sub3A_277 : vector<16xi32>
        %mul3A_279 = arith.constant 496 : i32
        %mul3A_280 = vector.broadcast %mul3A_279 : i32 to vector<16xi32>
        %mul3A_281 = arith.muli %sub3A_278, %mul3A_280 : vector<16xi32>
        %add3A_282 = arith.addi %mul3A_281, %get3A_260 : vector<16xi32>
        %mul3A_283 = arith.constant 16 : i32
        %mul3A_284 = arith.muli %scan3A_256, %mul3A_283 : i32
        %add3A_285 = arith.addi %mul3A_242, %mul3A_284 : i32
        %add3A_286 = vector.broadcast %add3A_285 : i32 to vector<16xi32>
        %add3A_287 = arith.addi %add3A_286, %iota3A : vector<16xi32>
        tpu.vector_store_idx %arg9[%add3A_282], %add3A_287 masked %and3A_276 : memref<27776xi32, #tpu.memory_space<vmem>>[vector<16xi32>], vector<16xi32>, vector<16xi1>
        %gather3A = tpu.vector_load_idx %arg9[%add3A_282] masked %and3A_276 : memref<27776xi32, #tpu.memory_space<vmem>>[vector<16xi32>], vector<16xi32>, vector<16xi1>
        %gt3A = arith.cmpi sgt, %add3A_287, %gather3A : vector<16xi32>
        %and3A_288 = arith.andi %and3A_276, %gt3A : vector<16xi1>
        tpu.vector_store_idx %arg9[%add3A_282], %add3A_287 masked %and3A_288 : memref<27776xi32, #tpu.memory_space<vmem>>[vector<16xi32>], vector<16xi32>, vector<16xi1>
        %gather3A_289 = tpu.vector_load_idx %arg9[%add3A_282] masked %and3A_276 : memref<27776xi32, #tpu.memory_space<vmem>>[vector<16xi32>], vector<16xi32>, vector<16xi1>
        %gt3A_290 = arith.cmpi sgt, %add3A_287, %gather3A_289 : vector<16xi32>
        %and3A_291 = arith.andi %and3A_276, %gt3A_290 : vector<16xi1>
        tpu.vector_store_idx %arg9[%add3A_282], %add3A_287 masked %and3A_291 : memref<27776xi32, #tpu.memory_space<vmem>>[vector<16xi32>], vector<16xi32>, vector<16xi1>
        %scan3A_292 = arith.constant 0 : i32
        scf.yield %scan3A_292 : i32
      }
      %scan3A_249 = arith.constant 75 : i32
      %lt3A_250 = arith.constant 4 : i32
      %lt3A_251 = arith.cmpi slt, %scan3A_172, %lt3A_250 : i32
      %convert_element_type3A_252 = arith.extui %lt3A_251 : i1 to i32
      %cond3A_253 = arith.constant 0 : i32
      %cond3A_254 = arith.cmpi ne, %convert_element_type3A_252, %cond3A_253 : i32
      scf.if %cond3A_254 {
        %mul3A_256 = arith.constant 2 : i32
        %mul3A_257 = arith.muli %mul3A_256, %scan3A_172 : i32
        %add3A_258 = arith.constant 3 : i32
        %add3A_259 = arith.addi %mul3A_257, %add3A_258 : i32
        %mul3A_260 = arith.constant 4 : i32
        %mul3A_261 = arith.muli %select_n3A, %mul3A_260 : i32
        %add3A_262 = arith.constant 1 : i32
        %add3A_263 = arith.addi %mul3A_261, %add3A_262 : i32
        %mul3A_264 = arith.constant 12288 : i32
        %mul3A_265 = arith.muli %add3A_263, %mul3A_264 : i32
        %mul3A_266 = arith.constant 1200 : i32
        %mul3A_267 = arith.muli %add3A_259, %mul3A_266 : i32
        %add3A_268 = arith.addi %mul3A_265, %mul3A_267 : i32
        %multiple_of3A_269 = tpu.assume_multiple %add3A_268, 8 : i32
        %mul3A_270 = arith.constant 4 : i32
        %mul3A_271 = arith.muli %select_n3A, %mul3A_270 : i32
        %add3A_272 = arith.constant 2 : i32
        %add3A_273 = arith.addi %mul3A_271, %add3A_272 : i32
        %mul3A_274 = arith.constant 12288 : i32
        %mul3A_275 = arith.muli %add3A_273, %mul3A_274 : i32
        %mul3A_276 = arith.constant 1200 : i32
        %mul3A_277 = arith.muli %add3A_259, %mul3A_276 : i32
        %add3A_278 = arith.addi %mul3A_275, %mul3A_277 : i32
        %multiple_of3A_279 = tpu.assume_multiple %add3A_278, 8 : i32
        %dma_start3A_280 = tpu.memref_slice %arg2[%multiple_of3A_269] : memref<196608xi32, #tpu.memory_space<hbm>> -> memref<1200xi32, #tpu.memory_space<hbm>>
        %dma_start3A_281 = tpu.memref_slice %arg2[%multiple_of3A_269] : memref<196608xi32, #tpu.memory_space<hbm>> -> memref<1200xi32, #tpu.memory_space<hbm>>
        tpu.enqueue_dma source(%dma_start3A_281 : memref<1200xi32, #tpu.memory_space<hbm>>) target(%arg6 : memref<1200xi32, #tpu.memory_space<vmem>>) target_semaphore(%arg16 : memref<!tpu.dma_semaphore, #tpu.memory_space<semaphore_mem>>)
        %dma_start3A_282 = tpu.memref_slice %arg2[%multiple_of3A_279] : memref<196608xi32, #tpu.memory_space<hbm>> -> memref<1200xi32, #tpu.memory_space<hbm>>
        %dma_start3A_283 = tpu.memref_slice %arg2[%multiple_of3A_279] : memref<196608xi32, #tpu.memory_space<hbm>> -> memref<1200xi32, #tpu.memory_space<hbm>>
        tpu.enqueue_dma source(%dma_start3A_283 : memref<1200xi32, #tpu.memory_space<hbm>>) target(%arg8 : memref<1200xi32, #tpu.memory_space<vmem>>) target_semaphore(%arg16 : memref<!tpu.dma_semaphore, #tpu.memory_space<semaphore_mem>>)
      } else {
      }
      %scan3A_255 = arith.constant 0 : i32
      scf.yield %scan3A_255 : i32
    }
    %scan3A_97 = arith.constant 5 : i32
    %parallel_loop3A_98 = arith.constant 0 : i32
    %parallel_loop3A_99 = arith.constant 1736 : i32
    %parallel_loop3A_100 = arith.constant 1 : i32
    %parallel_loop3A_101 = arith.constant 0 : i32
    %parallel_loop3A_102 = scf.for %parallel_loop3A_172 = %parallel_loop3A_98 to %parallel_loop3A_99 step %parallel_loop3A_100 iter_args(%parallel_loop3A_173 = %parallel_loop3A_101) -> (i32)  : i32 {
      %parallel_loop3A_174 = arith.constant 16 : i32
      %parallel_loop3A_175 = arith.muli %parallel_loop3A_172, %parallel_loop3A_174 : i32
      %parallel_loop3A_176 = arith.index_cast %parallel_loop3A_175 : i32 to index
      %parallel_loop3A_177 = tpu.vector_load %arg9[%parallel_loop3A_176] {strides = array<i32>} : memref<27776xi32, #tpu.memory_space<vmem>>, vector<16xi32>,
      %parallel_loop3A_178 = arith.constant 12000 : i32
      %parallel_loop3A_179 = vector.broadcast %parallel_loop3A_178 : i32 to vector<16xi32>
      %parallel_loop3A_180 = arith.cmpi ne, %parallel_loop3A_177, %parallel_loop3A_179 : vector<16xi32>
      %parallel_loop3A_181 = arith.constant 16 : i32
      %parallel_loop3A_182 = arith.muli %parallel_loop3A_172, %parallel_loop3A_181 : i32
      %parallel_loop3A_183 = vector.broadcast %parallel_loop3A_182 : i32 to vector<16xi32>
      %parallel_loop3A_184 = arith.addi %parallel_loop3A_183, %iota3A : vector<16xi32>
      %parallel_loop3A_185 = arith.constant 496 : i32
      %parallel_loop3A_186 = vector.broadcast %parallel_loop3A_185 : i32 to vector<16xi32>
      %parallel_loop3A_187 = arith.divsi %parallel_loop3A_184, %parallel_loop3A_186 : vector<16xi32>
      %parallel_loop3A_188 = arith.constant 0 : i32
      %parallel_loop3A_189 = vector.broadcast %parallel_loop3A_188 : i32 to vector<16xi32>
      %parallel_loop3A_190 = arith.cmpi sgt, %parallel_loop3A_184, %parallel_loop3A_189 : vector<16xi32>
      %parallel_loop3A_191 = arith.extui %parallel_loop3A_190 : vector<16xi1> to vector<16xi32>
      %parallel_loop3A_192 = arith.constant 0 : i32
      %parallel_loop3A_193 = vector.broadcast %parallel_loop3A_192 : i32 to vector<16xi32>
      %parallel_loop3A_194 = arith.cmpi slt, %parallel_loop3A_184, %parallel_loop3A_193 : vector<16xi32>
      %parallel_loop3A_195 = arith.extui %parallel_loop3A_194 : vector<16xi1> to vector<16xi32>
      %parallel_loop3A_196 = arith.subi %parallel_loop3A_191, %parallel_loop3A_195 : vector<16xi32>
      %parallel_loop3A_197 = arith.constant 0 : i32
      %parallel_loop3A_198 = arith.cmpi sgt, %parallel_loop3A_185, %parallel_loop3A_197 : i32
      %parallel_loop3A_199 = arith.extui %parallel_loop3A_198 : i1 to i32
      %parallel_loop3A_200 = arith.constant 0 : i32
      %parallel_loop3A_201 = arith.cmpi slt, %parallel_loop3A_185, %parallel_loop3A_200 : i32
      %parallel_loop3A_202 = arith.extui %parallel_loop3A_201 : i1 to i32
      %parallel_loop3A_203 = arith.subi %parallel_loop3A_199, %parallel_loop3A_202 : i32
      %parallel_loop3A_204 = vector.broadcast %parallel_loop3A_203 : i32 to vector<16xi32>
      %parallel_loop3A_205 = arith.cmpi ne, %parallel_loop3A_196, %parallel_loop3A_204 : vector<16xi32>
      %parallel_loop3A_206 = vector.broadcast %parallel_loop3A_185 : i32 to vector<16xi32>
      %parallel_loop3A_207 = arith.remsi %parallel_loop3A_184, %parallel_loop3A_206 : vector<16xi32>
      %parallel_loop3A_208 = arith.constant 0 : i32
      %parallel_loop3A_209 = vector.broadcast %parallel_loop3A_208 : i32 to vector<16xi32>
      %parallel_loop3A_210 = arith.cmpi ne, %parallel_loop3A_207, %parallel_loop3A_209 : vector<16xi32>
      %parallel_loop3A_211 = arith.andi %parallel_loop3A_205, %parallel_loop3A_210 : vector<16xi1>
      %parallel_loop3A_212 = arith.constant 1 : i32
      %parallel_loop3A_213 = vector.broadcast %parallel_loop3A_212 : i32 to vector<16xi32>
      %parallel_loop3A_214 = arith.subi %parallel_loop3A_187, %parallel_loop3A_213 : vector<16xi32>
      %parallel_loop3A_215 = arith.select %parallel_loop3A_211, %parallel_loop3A_214, %parallel_loop3A_187 : vector<16xi1>, vector<16xi32>
      %parallel_loop3A_216 = arith.constant 23 : i32
      %parallel_loop3A_217 = vector.broadcast %parallel_loop3A_216 : i32 to vector<16xi32>
      %parallel_loop3A_218 = arith.shli %parallel_loop3A_215, %parallel_loop3A_217 : vector<16xi32>
      %parallel_loop3A_219 = arith.constant 496 : i32
      %parallel_loop3A_220 = arith.constant 0 : i32
      %parallel_loop3A_221 = arith.cmpi eq, %parallel_loop3A_219, %parallel_loop3A_220 : i32
      %parallel_loop3A_222 = arith.constant 1 : i32
      %parallel_loop3A_223 = arith.select %parallel_loop3A_221, %parallel_loop3A_222, %parallel_loop3A_219 : i32
      %parallel_loop3A_224 = vector.broadcast %parallel_loop3A_223 : i32 to vector<16xi32>
      %parallel_loop3A_225 = arith.remsi %parallel_loop3A_184, %parallel_loop3A_224 : vector<16xi32>
      %parallel_loop3A_226 = arith.constant 0 : i32
      %parallel_loop3A_227 = vector.broadcast %parallel_loop3A_226 : i32 to vector<16xi32>
      %parallel_loop3A_228 = arith.cmpi ne, %parallel_loop3A_225, %parallel_loop3A_227 : vector<16xi32>
      %parallel_loop3A_229 = arith.constant 0 : i32
      %parallel_loop3A_230 = vector.broadcast %parallel_loop3A_229 : i32 to vector<16xi32>
      %parallel_loop3A_231 = arith.cmpi slt, %parallel_loop3A_225, %parallel_loop3A_230 : vector<16xi32>
      %parallel_loop3A_232 = arith.constant 0 : i32
      %parallel_loop3A_233 = arith.cmpi slt, %parallel_loop3A_223, %parallel_loop3A_232 : i32
      %parallel_loop3A_234 = vector.broadcast %parallel_loop3A_233 : i1 to vector<16xi1>
      %parallel_loop3A_235 = vector.broadcast %parallel_loop3A_234 : vector<16xi1> to vector<16xi1>
      %parallel_loop3A_236 = arith.xori %parallel_loop3A_231, %parallel_loop3A_235 : vector<16xi1>
      %parallel_loop3A_237 = arith.andi %parallel_loop3A_236, %parallel_loop3A_228 : vector<16xi1>
      %parallel_loop3A_238 = vector.broadcast %parallel_loop3A_223 : i32 to vector<16xi32>
      %parallel_loop3A_239 = arith.addi %parallel_loop3A_225, %parallel_loop3A_238 : vector<16xi32>
      %parallel_loop3A_240 = arith.select %parallel_loop3A_237, %parallel_loop3A_239, %parallel_loop3A_225 : vector<16xi1>, vector<16xi32>
      %parallel_loop3A_241 = arith.constant 14 : i32
      %parallel_loop3A_242 = vector.broadcast %parallel_loop3A_241 : i32 to vector<16xi32>
      %parallel_loop3A_243 = arith.shli %parallel_loop3A_240, %parallel_loop3A_242 : vector<16xi32>
      %parallel_loop3A_244 = arith.ori %parallel_loop3A_218, %parallel_loop3A_243 : vector<16xi32>
      %parallel_loop3A_245 = arith.ori %parallel_loop3A_244, %parallel_loop3A_177 : vector<16xi32>
      %parallel_loop3A_246 = arith.index_cast %parallel_loop3A_173 : i32 to index
      %parallel_loop3A_247 = tpu.vector_load %arg10[%parallel_loop3A_246] masked %parallel_loop3A_180 {strides = array<i32>} : memref<12016xi32, #tpu.memory_space<vmem>>, vector<16xi32>, vector<16xi1>
      tpu.vector_store %arg10[%parallel_loop3A_246], %parallel_loop3A_245 masked %parallel_loop3A_180 {strides = array<i32>} : memref<12016xi32, #tpu.memory_space<vmem>>, vector<16xi32>, vector<16xi1>
      %parallel_loop3A_248 = arith.extui %parallel_loop3A_180 : vector<16xi1> to vector<16xi32>
      %parallel_loop3A_249 = arith.constant true
      %parallel_loop3A_250 = vector.broadcast %parallel_loop3A_249 : i1 to vector<16xi1>
      %parallel_loop3A_251 = tpu.scan <sum>, %parallel_loop3A_248 masked %parallel_loop3A_250 : vector<16xi32>, vector<16xi1> -> vector<16xi32>
      %parallel_loop3A_252 = vector.extract %parallel_loop3A_251[15] : i32 from vector<16xi32>
      %parallel_loop3A_253 = arith.addi %parallel_loop3A_173, %parallel_loop3A_252 : i32
      scf.yield %parallel_loop3A_253 : i32
    } {sc.loop_unroll_factor = 2 : i64, sc.parallel_access}
    %add3A_103 = arith.constant 15 : i32
    %add3A_104 = arith.addi %parallel_loop3A_102, %add3A_103 : i32
    %jit3A_105 = arith.constant 16 : i32
    %div3A_106 = arith.divsi %add3A_104, %jit3A_105 : i32
    %sign3A_107 = arith.constant 0 : i32
    %sign3A_108 = arith.cmpi sgt, %add3A_104, %sign3A_107 : i32
    %sign3A_109 = arith.extui %sign3A_108 : i1 to i32
    %sign3A_110 = arith.constant 0 : i32
    %sign3A_111 = arith.cmpi slt, %add3A_104, %sign3A_110 : i32
    %sign3A_112 = arith.extui %sign3A_111 : i1 to i32
    %sign3A_113 = arith.subi %sign3A_109, %sign3A_112 : i32
    %sign3A_114 = arith.constant 0 : i32
    %sign3A_115 = arith.cmpi sgt, %jit3A_105, %sign3A_114 : i32
    %sign3A_116 = arith.extui %sign3A_115 : i1 to i32
    %sign3A_117 = arith.constant 0 : i32
    %sign3A_118 = arith.cmpi slt, %jit3A_105, %sign3A_117 : i32
    %sign3A_119 = arith.extui %sign3A_118 : i1 to i32
    %sign3A_120 = arith.subi %sign3A_116, %sign3A_119 : i32
    %ne3A_121 = arith.cmpi ne, %sign3A_113, %sign3A_120 : i32
    %rem3A_122 = arith.remsi %add3A_104, %jit3A_105 : i32
    %ne3A_123 = arith.constant 0 : i32
    %ne3A_124 = arith.cmpi ne, %rem3A_122, %ne3A_123 : i32
    %and3A_125 = arith.andi %ne3A_121, %ne3A_124 : i1
    %sub3A_126 = arith.constant 1 : i32
    %sub3A_127 = arith.subi %div3A_106, %sub3A_126 : i32
    %select_n3A_128 = arith.select %and3A_125, %sub3A_127, %div3A_106 : i32
    %mul3A_129 = arith.constant 64 : i32
    %mul3A_130 = arith.muli %select_n3A, %mul3A_129 : i32
    %add3A_131 = arith.constant 0 : i32
    %add3A_132 = arith.addi %mul3A_130, %add3A_131 : i32
    %mul3A_133 = arith.constant 12288 : i32
    %mul3A_134 = arith.muli %add3A_132, %mul3A_133 : i32
    %multiple_of3A_135 = tpu.assume_multiple %mul3A_134, 8 : i32
    %dma_start3A_136 = tpu.memref_slice %arg3[%multiple_of3A_135] : memref<3145728xf32, #tpu.memory_space<hbm>> -> memref<12000xf32, #tpu.memory_space<hbm>>
    %dma_start3A_137 = tpu.memref_slice %arg3[%multiple_of3A_135] : memref<3145728xf32, #tpu.memory_space<hbm>> -> memref<12000xf32, #tpu.memory_space<hbm>>
    tpu.enqueue_dma source(%dma_start3A_137 : memref<12000xf32, #tpu.memory_space<hbm>>) target(%arg11 : memref<12000xf32, #tpu.memory_space<vmem>>) target_semaphore(%arg17 : memref<!tpu.dma_semaphore, #tpu.memory_space<semaphore_mem>>)
    %mul3A_138 = arith.constant 64 : i32
    %mul3A_139 = arith.muli %select_n3A, %mul3A_138 : i32
    %add3A_140 = arith.constant 1 : i32
    %add3A_141 = arith.addi %mul3A_139, %add3A_140 : i32
    %mul3A_142 = arith.constant 12288 : i32
    %mul3A_143 = arith.muli %add3A_141, %mul3A_142 : i32
    %multiple_of3A_144 = tpu.assume_multiple %mul3A_143, 8 : i32
    %dma_start3A_145 = tpu.memref_slice %arg3[%multiple_of3A_144] : memref<3145728xf32, #tpu.memory_space<hbm>> -> memref<12000xf32, #tpu.memory_space<hbm>>
    %dma_start3A_146 = tpu.memref_slice %arg3[%multiple_of3A_144] : memref<3145728xf32, #tpu.memory_space<hbm>> -> memref<12000xf32, #tpu.memory_space<hbm>>
    tpu.enqueue_dma source(%dma_start3A_146 : memref<12000xf32, #tpu.memory_space<hbm>>) target(%arg12 : memref<12000xf32, #tpu.memory_space<vmem>>) target_semaphore(%arg18 : memref<!tpu.dma_semaphore, #tpu.memory_space<semaphore_mem>>)
    %scan3A_147 = arith.constant 0 : i32
    %scan3A_148 = arith.constant 0 : i32
    %scan3A_149 = arith.constant 32 : i32
    %scan3A_150 = arith.addi %scan3A_148, %scan3A_149 : i32
    %scan3A_151 = arith.constant 1 : i32
    %scan3A_152 = scf.for %scan3A_172 = %scan3A_148 to %scan3A_150 step %scan3A_151 iter_args(%scan3A_173 = %scan3A_147) -> (i32)  : i32 {
      %mul3A_174 = arith.constant 2 : i32
      %mul3A_175 = arith.muli %mul3A_174, %scan3A_172 : i32
      %mul3A_176 = arith.constant 64 : i32
      %mul3A_177 = arith.muli %select_n3A, %mul3A_176 : i32
      %add3A_178 = arith.addi %mul3A_177, %mul3A_175 : i32
      %mul3A_179 = arith.constant 12288 : i32
      %mul3A_180 = arith.muli %add3A_178, %mul3A_179 : i32
      %multiple_of3A_181 = tpu.assume_multiple %mul3A_180, 8 : i32
      %dma_wait3A = tpu.memref_slice %arg3[%multiple_of3A_181] : memref<3145728xf32, #tpu.memory_space<hbm>> -> memref<12000xf32, #tpu.memory_space<hbm>>
      %dma_wait3A_182 = tpu.memref_slice %arg3[%multiple_of3A_181] : memref<3145728xf32, #tpu.memory_space<hbm>> -> memref<12000xf32, #tpu.memory_space<hbm>>
      tpu.wait_dma2 semaphore(%arg17 : memref<!tpu.dma_semaphore, #tpu.memory_space<semaphore_mem>>) src(%dma_wait3A_182 : memref<12000xf32, #tpu.memory_space<hbm>>) dst(%arg11 : memref<12000xf32, #tpu.memory_space<vmem>>)
      %gt3A = arith.constant 0 : i32
      %gt3A_183 = arith.cmpi sgt, %scan3A_172, %gt3A : i32
      %convert_element_type3A_184 = arith.extui %gt3A_183 : i1 to i32
      %cond3A_185 = arith.constant 0 : i32
      %cond3A_186 = arith.cmpi ne, %convert_element_type3A_184, %cond3A_185 : i32
      scf.if %cond3A_186 {
        %lt3A_239 = arith.constant 7 : i32
        %lt3A_240 = arith.cmpi slt, %select_n3A_30, %lt3A_239 : i32
        %convert_element_type3A_241 = arith.extui %lt3A_240 : i1 to i32
        %cond3A_242 = arith.constant 0 : i32
        %cond3A_243 = arith.cmpi ne, %convert_element_type3A_241, %cond3A_242 : i32
        scf.if %cond3A_243 {
          %multiple_of3A_249 = tpu.assume_multiple %mul3A_32, 8 : i32
          %dma_wait3A_250 = arith.constant 0 : i32
          %dma_wait3A_251 = arith.constant 0 : i32
          %dma_wait3A_252 = tpu.memref_slice %arg13[%dma_wait3A_250, %dma_wait3A_251] : memref<56x496xf32, #tpu.memory_space<vmem>> -> memref<56x496xf32, #tpu.memory_space<vmem>>
          %dma_wait3A_253 = arith.constant 0 : i32
          %dma_wait3A_254 = tpu.memref_slice %arg4[%select_n3A, %mul3A_175, %multiple_of3A_249, %dma_wait3A_253] : memref<4x64x432x496xf32, #tpu.memory_space<hbm>> -> memref<1x1x56x496xf32, #tpu.memory_space<hbm>>
          %dma_wait3A_255 = tpu.memref_squeeze %dma_wait3A_254 : memref<1x1x56x496xf32, #tpu.memory_space<hbm>> -> memref<56x496xf32, #tpu.memory_space<hbm>>
          %dma_wait3A_256 = arith.constant 0 : i32
          %dma_wait3A_257 = tpu.memref_slice %arg4[%select_n3A, %mul3A_175, %multiple_of3A_249, %dma_wait3A_256] : memref<4x64x432x496xf32, #tpu.memory_space<hbm>> -> memref<1x1x56x496xf32, #tpu.memory_space<hbm>>
          %dma_wait3A_258 = tpu.memref_squeeze %dma_wait3A_257 : memref<1x1x56x496xf32, #tpu.memory_space<hbm>> -> memref<56x496xf32, #tpu.memory_space<hbm>>
          %dma_wait3A_259 = arith.constant 0 : i32
          %dma_wait3A_260 = arith.constant 0 : i32
          %dma_wait3A_261 = tpu.memref_slice %arg13[%dma_wait3A_259, %dma_wait3A_260] : memref<56x496xf32, #tpu.memory_space<vmem>> -> memref<56x496xf32, #tpu.memory_space<vmem>>
          tpu.wait_dma2 semaphore(%arg19 : memref<!tpu.dma_semaphore, #tpu.memory_space<semaphore_mem>>) src(%dma_wait3A_261 : memref<56x496xf32, #tpu.memory_space<vmem>>) dst(%dma_wait3A_258 : memref<56x496xf32, #tpu.memory_space<hbm>>)
        } else {
        }
        %eq3A_244 = arith.constant 7 : i32
        %eq3A_245 = arith.cmpi eq, %select_n3A_30, %eq3A_244 : i32
        %convert_element_type3A_246 = arith.extui %eq3A_245 : i1 to i32
        %cond3A_247 = arith.constant 0 : i32
        %cond3A_248 = arith.cmpi ne, %convert_element_type3A_246, %cond3A_247 : i32
        scf.if %cond3A_248 {
          %multiple_of3A_249 = tpu.assume_multiple %mul3A_32, 8 : i32
          %dma_wait3A_250 = arith.constant 0 : i32
          %dma_wait3A_251 = arith.constant 0 : i32
          %dma_wait3A_252 = tpu.memref_slice %arg13[%dma_wait3A_250, %dma_wait3A_251] : memref<56x496xf32, #tpu.memory_space<vmem>> -> memref<40x496xf32, #tpu.memory_space<vmem>>
          %dma_wait3A_253 = arith.constant 0 : i32
          %dma_wait3A_254 = tpu.memref_slice %arg4[%select_n3A, %mul3A_175, %multiple_of3A_249, %dma_wait3A_253] : memref<4x64x432x496xf32, #tpu.memory_space<hbm>> -> memref<1x1x40x496xf32, #tpu.memory_space<hbm>>
          %dma_wait3A_255 = tpu.memref_squeeze %dma_wait3A_254 : memref<1x1x40x496xf32, #tpu.memory_space<hbm>> -> memref<40x496xf32, #tpu.memory_space<hbm>>
          %dma_wait3A_256 = arith.constant 0 : i32
          %dma_wait3A_257 = tpu.memref_slice %arg4[%select_n3A, %mul3A_175, %multiple_of3A_249, %dma_wait3A_256] : memref<4x64x432x496xf32, #tpu.memory_space<hbm>> -> memref<1x1x40x496xf32, #tpu.memory_space<hbm>>
          %dma_wait3A_258 = tpu.memref_squeeze %dma_wait3A_257 : memref<1x1x40x496xf32, #tpu.memory_space<hbm>> -> memref<40x496xf32, #tpu.memory_space<hbm>>
          %dma_wait3A_259 = arith.constant 0 : i32
          %dma_wait3A_260 = arith.constant 0 : i32
          %dma_wait3A_261 = tpu.memref_slice %arg13[%dma_wait3A_259, %dma_wait3A_260] : memref<56x496xf32, #tpu.memory_space<vmem>> -> memref<40x496xf32, #tpu.memory_space<vmem>>
          tpu.wait_dma2 semaphore(%arg19 : memref<!tpu.dma_semaphore, #tpu.memory_space<semaphore_mem>>) src(%dma_wait3A_261 : memref<40x496xf32, #tpu.memory_space<vmem>>) dst(%dma_wait3A_258 : memref<40x496xf32, #tpu.memory_space<hbm>>)
        } else {
        }
      } else {
      }
      %parallel_loop3A_187 = arith.constant 0 : i32
      %parallel_loop3A_188 = arith.constant 1 : i32
      scf.for %parallel_loop3A_239 = %parallel_loop3A_187 to %select_n3A_128 step %parallel_loop3A_188  : i32 {
        %parallel_loop3A_240 = arith.constant 16 : i32
        %parallel_loop3A_241 = arith.muli %parallel_loop3A_239, %parallel_loop3A_240 : i32
        %parallel_loop3A_242 = vector.broadcast %parallel_loop3A_241 : i32 to vector<16xi32>
        %parallel_loop3A_243 = arith.addi %parallel_loop3A_242, %iota3A : vector<16xi32>
        %parallel_loop3A_244 = vector.broadcast %parallel_loop3A_102 : i32 to vector<16xi32>
        %parallel_loop3A_245 = arith.cmpi slt, %parallel_loop3A_243, %parallel_loop3A_244 : vector<16xi32>
        %parallel_loop3A_246 = arith.constant 16 : i32
        %parallel_loop3A_247 = arith.muli %parallel_loop3A_239, %parallel_loop3A_246 : i32
        %parallel_loop3A_248 = arith.index_cast %parallel_loop3A_247 : i32 to index
        %parallel_loop3A_249 = tpu.vector_load %arg10[%parallel_loop3A_248] {strides = array<i32>} : memref<12016xi32, #tpu.memory_space<vmem>>, vector<16xi32>,
        %parallel_loop3A_250 = arith.constant 23 : i32
        %parallel_loop3A_251 = vector.broadcast %parallel_loop3A_250 : i32 to vector<16xi32>
        %parallel_loop3A_252 = arith.shrui %parallel_loop3A_249, %parallel_loop3A_251 : vector<16xi32>
        %parallel_loop3A_253 = arith.constant 14 : i32
        %parallel_loop3A_254 = vector.broadcast %parallel_loop3A_253 : i32 to vector<16xi32>
        %parallel_loop3A_255 = arith.shrui %parallel_loop3A_249, %parallel_loop3A_254 : vector<16xi32>
        %parallel_loop3A_256 = arith.constant 511 : i32
        %parallel_loop3A_257 = vector.broadcast %parallel_loop3A_256 : i32 to vector<16xi32>
        %parallel_loop3A_258 = arith.andi %parallel_loop3A_255, %parallel_loop3A_257 : vector<16xi32>
        %parallel_loop3A_259 = arith.constant 16383 : i32
        %parallel_loop3A_260 = vector.broadcast %parallel_loop3A_259 : i32 to vector<16xi32>
        %parallel_loop3A_261 = arith.andi %parallel_loop3A_249, %parallel_loop3A_260 : vector<16xi32>
        %parallel_loop3A_262 = tpu.vector_load_idx %arg11[%parallel_loop3A_261] masked %parallel_loop3A_245 : memref<12000xf32, #tpu.memory_space<vmem>>[vector<16xi32>], vector<16xf32>, vector<16xi1>
        tpu.vector_store_idx %arg13[%parallel_loop3A_252, %parallel_loop3A_258], %parallel_loop3A_262 masked %parallel_loop3A_245 : memref<56x496xf32, #tpu.memory_space<vmem>>[vector<16xi32>, vector<16xi32>], vector<16xf32>, vector<16xi1>
      } {sc.loop_unroll_factor = 4 : i64, sc.parallel_access}
      %lt3A_189 = arith.constant 7 : i32
      %lt3A_190 = arith.cmpi slt, %select_n3A_30, %lt3A_189 : i32
      %convert_element_type3A_191 = arith.extui %lt3A_190 : i1 to i32
      %cond3A_192 = arith.constant 0 : i32
      %cond3A_193 = arith.cmpi ne, %convert_element_type3A_191, %cond3A_192 : i32
      scf.if %cond3A_193 {
        %multiple_of3A_239 = tpu.assume_multiple %mul3A_32, 8 : i32
        %dma_start3A_240 = arith.constant 0 : i32
        %dma_start3A_241 = arith.constant 0 : i32
        %dma_start3A_242 = tpu.memref_slice %arg13[%dma_start3A_240, %dma_start3A_241] : memref<56x496xf32, #tpu.memory_space<vmem>> -> memref<56x496xf32, #tpu.memory_space<vmem>>
        %dma_start3A_243 = arith.constant 0 : i32
        %dma_start3A_244 = tpu.memref_slice %arg4[%select_n3A, %mul3A_175, %multiple_of3A_239, %dma_start3A_243] : memref<4x64x432x496xf32, #tpu.memory_space<hbm>> -> memref<1x1x56x496xf32, #tpu.memory_space<hbm>>
        %dma_start3A_245 = tpu.memref_squeeze %dma_start3A_244 : memref<1x1x56x496xf32, #tpu.memory_space<hbm>> -> memref<56x496xf32, #tpu.memory_space<hbm>>
        %dma_start3A_246 = arith.constant 0 : i32
        %dma_start3A_247 = tpu.memref_slice %arg4[%select_n3A, %mul3A_175, %multiple_of3A_239, %dma_start3A_246] : memref<4x64x432x496xf32, #tpu.memory_space<hbm>> -> memref<1x1x56x496xf32, #tpu.memory_space<hbm>>
        %dma_start3A_248 = tpu.memref_squeeze %dma_start3A_247 : memref<1x1x56x496xf32, #tpu.memory_space<hbm>> -> memref<56x496xf32, #tpu.memory_space<hbm>>
        %dma_start3A_249 = arith.constant 0 : i32
        %dma_start3A_250 = arith.constant 0 : i32
        %dma_start3A_251 = tpu.memref_slice %arg13[%dma_start3A_249, %dma_start3A_250] : memref<56x496xf32, #tpu.memory_space<vmem>> -> memref<56x496xf32, #tpu.memory_space<vmem>>
        tpu.enqueue_dma source(%dma_start3A_251 : memref<56x496xf32, #tpu.memory_space<vmem>>) target(%dma_start3A_248 : memref<56x496xf32, #tpu.memory_space<hbm>>) target_semaphore(%arg19 : memref<!tpu.dma_semaphore, #tpu.memory_space<semaphore_mem>>)
      } else {
      }
      %eq3A_194 = arith.constant 7 : i32
      %eq3A_195 = arith.cmpi eq, %select_n3A_30, %eq3A_194 : i32
      %convert_element_type3A_196 = arith.extui %eq3A_195 : i1 to i32
      %cond3A_197 = arith.constant 0 : i32
      %cond3A_198 = arith.cmpi ne, %convert_element_type3A_196, %cond3A_197 : i32
      scf.if %cond3A_198 {
        %multiple_of3A_239 = tpu.assume_multiple %mul3A_32, 8 : i32
        %dma_start3A_240 = arith.constant 0 : i32
        %dma_start3A_241 = arith.constant 0 : i32
        %dma_start3A_242 = tpu.memref_slice %arg13[%dma_start3A_240, %dma_start3A_241] : memref<56x496xf32, #tpu.memory_space<vmem>> -> memref<40x496xf32, #tpu.memory_space<vmem>>
        %dma_start3A_243 = arith.constant 0 : i32
        %dma_start3A_244 = tpu.memref_slice %arg4[%select_n3A, %mul3A_175, %multiple_of3A_239, %dma_start3A_243] : memref<4x64x432x496xf32, #tpu.memory_space<hbm>> -> memref<1x1x40x496xf32, #tpu.memory_space<hbm>>
        %dma_start3A_245 = tpu.memref_squeeze %dma_start3A_244 : memref<1x1x40x496xf32, #tpu.memory_space<hbm>> -> memref<40x496xf32, #tpu.memory_space<hbm>>
        %dma_start3A_246 = arith.constant 0 : i32
        %dma_start3A_247 = tpu.memref_slice %arg4[%select_n3A, %mul3A_175, %multiple_of3A_239, %dma_start3A_246] : memref<4x64x432x496xf32, #tpu.memory_space<hbm>> -> memref<1x1x40x496xf32, #tpu.memory_space<hbm>>
        %dma_start3A_248 = tpu.memref_squeeze %dma_start3A_247 : memref<1x1x40x496xf32, #tpu.memory_space<hbm>> -> memref<40x496xf32, #tpu.memory_space<hbm>>
        %dma_start3A_249 = arith.constant 0 : i32
        %dma_start3A_250 = arith.constant 0 : i32
        %dma_start3A_251 = tpu.memref_slice %arg13[%dma_start3A_249, %dma_start3A_250] : memref<56x496xf32, #tpu.memory_space<vmem>> -> memref<40x496xf32, #tpu.memory_space<vmem>>
        tpu.enqueue_dma source(%dma_start3A_251 : memref<40x496xf32, #tpu.memory_space<vmem>>) target(%dma_start3A_248 : memref<40x496xf32, #tpu.memory_space<hbm>>) target_semaphore(%arg19 : memref<!tpu.dma_semaphore, #tpu.memory_space<semaphore_mem>>)
      } else {
      }
      %lt3A_199 = arith.constant 31 : i32
      %lt3A_200 = arith.cmpi slt, %scan3A_172, %lt3A_199 : i32
      %convert_element_type3A_201 = arith.extui %lt3A_200 : i1 to i32
      %cond3A_202 = arith.constant 0 : i32
      %cond3A_203 = arith.cmpi ne, %convert_element_type3A_201, %cond3A_202 : i32
      scf.if %cond3A_203 {
        %add3A_239 = arith.constant 2 : i32
        %add3A_240 = arith.addi %mul3A_175, %add3A_239 : i32
        %mul3A_241 = arith.constant 64 : i32
        %mul3A_242 = arith.muli %select_n3A, %mul3A_241 : i32
        %add3A_243 = arith.addi %mul3A_242, %add3A_240 : i32
        %mul3A_244 = arith.constant 12288 : i32
        %mul3A_245 = arith.muli %add3A_243, %mul3A_244 : i32
        %multiple_of3A_246 = tpu.assume_multiple %mul3A_245, 8 : i32
        %dma_start3A_247 = tpu.memref_slice %arg3[%multiple_of3A_246] : memref<3145728xf32, #tpu.memory_space<hbm>> -> memref<12000xf32, #tpu.memory_space<hbm>>
        %dma_start3A_248 = tpu.memref_slice %arg3[%multiple_of3A_246] : memref<3145728xf32, #tpu.memory_space<hbm>> -> memref<12000xf32, #tpu.memory_space<hbm>>
        tpu.enqueue_dma source(%dma_start3A_248 : memref<12000xf32, #tpu.memory_space<hbm>>) target(%arg11 : memref<12000xf32, #tpu.memory_space<vmem>>) target_semaphore(%arg17 : memref<!tpu.dma_semaphore, #tpu.memory_space<semaphore_mem>>)
      } else {
      }
      %mul3A_204 = arith.constant 2 : i32
      %mul3A_205 = arith.muli %mul3A_204, %scan3A_172 : i32
      %add3A_206 = arith.constant 1 : i32
      %add3A_207 = arith.addi %mul3A_205, %add3A_206 : i32
      %mul3A_208 = arith.constant 64 : i32
      %mul3A_209 = arith.muli %select_n3A, %mul3A_208 : i32
      %add3A_210 = arith.addi %mul3A_209, %add3A_207 : i32
      %mul3A_211 = arith.constant 12288 : i32
      %mul3A_212 = arith.muli %add3A_210, %mul3A_211 : i32
      %multiple_of3A_213 = tpu.assume_multiple %mul3A_212, 8 : i32
      %dma_wait3A_214 = tpu.memref_slice %arg3[%multiple_of3A_213] : memref<3145728xf32, #tpu.memory_space<hbm>> -> memref<12000xf32, #tpu.memory_space<hbm>>
      %dma_wait3A_215 = tpu.memref_slice %arg3[%multiple_of3A_213] : memref<3145728xf32, #tpu.memory_space<hbm>> -> memref<12000xf32, #tpu.memory_space<hbm>>
      tpu.wait_dma2 semaphore(%arg18 : memref<!tpu.dma_semaphore, #tpu.memory_space<semaphore_mem>>) src(%dma_wait3A_215 : memref<12000xf32, #tpu.memory_space<hbm>>) dst(%arg12 : memref<12000xf32, #tpu.memory_space<vmem>>)
      %gt3A_216 = arith.constant 0 : i32
      %gt3A_217 = arith.cmpi sgt, %scan3A_172, %gt3A_216 : i32
      %convert_element_type3A_218 = arith.extui %gt3A_217 : i1 to i32
      %cond3A_219 = arith.constant 0 : i32
      %cond3A_220 = arith.cmpi ne, %convert_element_type3A_218, %cond3A_219 : i32
      scf.if %cond3A_220 {
        %lt3A_239 = arith.constant 7 : i32
        %lt3A_240 = arith.cmpi slt, %select_n3A_30, %lt3A_239 : i32
        %convert_element_type3A_241 = arith.extui %lt3A_240 : i1 to i32
        %cond3A_242 = arith.constant 0 : i32
        %cond3A_243 = arith.cmpi ne, %convert_element_type3A_241, %cond3A_242 : i32
        scf.if %cond3A_243 {
          %multiple_of3A_249 = tpu.assume_multiple %mul3A_32, 8 : i32
          %dma_wait3A_250 = arith.constant 0 : i32
          %dma_wait3A_251 = arith.constant 0 : i32
          %dma_wait3A_252 = tpu.memref_slice %arg14[%dma_wait3A_250, %dma_wait3A_251] : memref<56x496xf32, #tpu.memory_space<vmem>> -> memref<56x496xf32, #tpu.memory_space<vmem>>
          %dma_wait3A_253 = arith.constant 0 : i32
          %dma_wait3A_254 = tpu.memref_slice %arg4[%select_n3A, %add3A_207, %multiple_of3A_249, %dma_wait3A_253] : memref<4x64x432x496xf32, #tpu.memory_space<hbm>> -> memref<1x1x56x496xf32, #tpu.memory_space<hbm>>
          %dma_wait3A_255 = tpu.memref_squeeze %dma_wait3A_254 : memref<1x1x56x496xf32, #tpu.memory_space<hbm>> -> memref<56x496xf32, #tpu.memory_space<hbm>>
          %dma_wait3A_256 = arith.constant 0 : i32
          %dma_wait3A_257 = tpu.memref_slice %arg4[%select_n3A, %add3A_207, %multiple_of3A_249, %dma_wait3A_256] : memref<4x64x432x496xf32, #tpu.memory_space<hbm>> -> memref<1x1x56x496xf32, #tpu.memory_space<hbm>>
          %dma_wait3A_258 = tpu.memref_squeeze %dma_wait3A_257 : memref<1x1x56x496xf32, #tpu.memory_space<hbm>> -> memref<56x496xf32, #tpu.memory_space<hbm>>
          %dma_wait3A_259 = arith.constant 0 : i32
          %dma_wait3A_260 = arith.constant 0 : i32
          %dma_wait3A_261 = tpu.memref_slice %arg14[%dma_wait3A_259, %dma_wait3A_260] : memref<56x496xf32, #tpu.memory_space<vmem>> -> memref<56x496xf32, #tpu.memory_space<vmem>>
          tpu.wait_dma2 semaphore(%arg20 : memref<!tpu.dma_semaphore, #tpu.memory_space<semaphore_mem>>) src(%dma_wait3A_261 : memref<56x496xf32, #tpu.memory_space<vmem>>) dst(%dma_wait3A_258 : memref<56x496xf32, #tpu.memory_space<hbm>>)
        } else {
        }
        %eq3A_244 = arith.constant 7 : i32
        %eq3A_245 = arith.cmpi eq, %select_n3A_30, %eq3A_244 : i32
        %convert_element_type3A_246 = arith.extui %eq3A_245 : i1 to i32
        %cond3A_247 = arith.constant 0 : i32
        %cond3A_248 = arith.cmpi ne, %convert_element_type3A_246, %cond3A_247 : i32
        scf.if %cond3A_248 {
          %multiple_of3A_249 = tpu.assume_multiple %mul3A_32, 8 : i32
          %dma_wait3A_250 = arith.constant 0 : i32
          %dma_wait3A_251 = arith.constant 0 : i32
          %dma_wait3A_252 = tpu.memref_slice %arg14[%dma_wait3A_250, %dma_wait3A_251] : memref<56x496xf32, #tpu.memory_space<vmem>> -> memref<40x496xf32, #tpu.memory_space<vmem>>
          %dma_wait3A_253 = arith.constant 0 : i32
          %dma_wait3A_254 = tpu.memref_slice %arg4[%select_n3A, %add3A_207, %multiple_of3A_249, %dma_wait3A_253] : memref<4x64x432x496xf32, #tpu.memory_space<hbm>> -> memref<1x1x40x496xf32, #tpu.memory_space<hbm>>
          %dma_wait3A_255 = tpu.memref_squeeze %dma_wait3A_254 : memref<1x1x40x496xf32, #tpu.memory_space<hbm>> -> memref<40x496xf32, #tpu.memory_space<hbm>>
          %dma_wait3A_256 = arith.constant 0 : i32
          %dma_wait3A_257 = tpu.memref_slice %arg4[%select_n3A, %add3A_207, %multiple_of3A_249, %dma_wait3A_256] : memref<4x64x432x496xf32, #tpu.memory_space<hbm>> -> memref<1x1x40x496xf32, #tpu.memory_space<hbm>>
          %dma_wait3A_258 = tpu.memref_squeeze %dma_wait3A_257 : memref<1x1x40x496xf32, #tpu.memory_space<hbm>> -> memref<40x496xf32, #tpu.memory_space<hbm>>
          %dma_wait3A_259 = arith.constant 0 : i32
          %dma_wait3A_260 = arith.constant 0 : i32
          %dma_wait3A_261 = tpu.memref_slice %arg14[%dma_wait3A_259, %dma_wait3A_260] : memref<56x496xf32, #tpu.memory_space<vmem>> -> memref<40x496xf32, #tpu.memory_space<vmem>>
          tpu.wait_dma2 semaphore(%arg20 : memref<!tpu.dma_semaphore, #tpu.memory_space<semaphore_mem>>) src(%dma_wait3A_261 : memref<40x496xf32, #tpu.memory_space<vmem>>) dst(%dma_wait3A_258 : memref<40x496xf32, #tpu.memory_space<hbm>>)
        } else {
        }
      } else {
      }
      %parallel_loop3A_221 = arith.constant 0 : i32
      %parallel_loop3A_222 = arith.constant 1 : i32
      scf.for %parallel_loop3A_239 = %parallel_loop3A_221 to %select_n3A_128 step %parallel_loop3A_222  : i32 {
        %parallel_loop3A_240 = arith.constant 16 : i32
        %parallel_loop3A_241 = arith.muli %parallel_loop3A_239, %parallel_loop3A_240 : i32
        %parallel_loop3A_242 = vector.broadcast %parallel_loop3A_241 : i32 to vector<16xi32>
        %parallel_loop3A_243 = arith.addi %parallel_loop3A_242, %iota3A : vector<16xi32>
        %parallel_loop3A_244 = vector.broadcast %parallel_loop3A_102 : i32 to vector<16xi32>
        %parallel_loop3A_245 = arith.cmpi slt, %parallel_loop3A_243, %parallel_loop3A_244 : vector<16xi32>
        %parallel_loop3A_246 = arith.constant 16 : i32
        %parallel_loop3A_247 = arith.muli %parallel_loop3A_239, %parallel_loop3A_246 : i32
        %parallel_loop3A_248 = arith.index_cast %parallel_loop3A_247 : i32 to index
        %parallel_loop3A_249 = tpu.vector_load %arg10[%parallel_loop3A_248] {strides = array<i32>} : memref<12016xi32, #tpu.memory_space<vmem>>, vector<16xi32>,
        %parallel_loop3A_250 = arith.constant 23 : i32
        %parallel_loop3A_251 = vector.broadcast %parallel_loop3A_250 : i32 to vector<16xi32>
        %parallel_loop3A_252 = arith.shrui %parallel_loop3A_249, %parallel_loop3A_251 : vector<16xi32>
        %parallel_loop3A_253 = arith.constant 14 : i32
        %parallel_loop3A_254 = vector.broadcast %parallel_loop3A_253 : i32 to vector<16xi32>
        %parallel_loop3A_255 = arith.shrui %parallel_loop3A_249, %parallel_loop3A_254 : vector<16xi32>
        %parallel_loop3A_256 = arith.constant 511 : i32
        %parallel_loop3A_257 = vector.broadcast %parallel_loop3A_256 : i32 to vector<16xi32>
        %parallel_loop3A_258 = arith.andi %parallel_loop3A_255, %parallel_loop3A_257 : vector<16xi32>
        %parallel_loop3A_259 = arith.constant 16383 : i32
        %parallel_loop3A_260 = vector.broadcast %parallel_loop3A_259 : i32 to vector<16xi32>
        %parallel_loop3A_261 = arith.andi %parallel_loop3A_249, %parallel_loop3A_260 : vector<16xi32>
        %parallel_loop3A_262 = tpu.vector_load_idx %arg12[%parallel_loop3A_261] masked %parallel_loop3A_245 : memref<12000xf32, #tpu.memory_space<vmem>>[vector<16xi32>], vector<16xf32>, vector<16xi1>
        tpu.vector_store_idx %arg14[%parallel_loop3A_252, %parallel_loop3A_258], %parallel_loop3A_262 masked %parallel_loop3A_245 : memref<56x496xf32, #tpu.memory_space<vmem>>[vector<16xi32>, vector<16xi32>], vector<16xf32>, vector<16xi1>
      } {sc.loop_unroll_factor = 4 : i64, sc.parallel_access}
      %lt3A_223 = arith.constant 7 : i32
      %lt3A_224 = arith.cmpi slt, %select_n3A_30, %lt3A_223 : i32
      %convert_element_type3A_225 = arith.extui %lt3A_224 : i1 to i32
      %cond3A_226 = arith.constant 0 : i32
      %cond3A_227 = arith.cmpi ne, %convert_element_type3A_225, %cond3A_226 : i32
      scf.if %cond3A_227 {
        %multiple_of3A_239 = tpu.assume_multiple %mul3A_32, 8 : i32
        %dma_start3A_240 = arith.constant 0 : i32
        %dma_start3A_241 = arith.constant 0 : i32
        %dma_start3A_242 = tpu.memref_slice %arg14[%dma_start3A_240, %dma_start3A_241] : memref<56x496xf32, #tpu.memory_space<vmem>> -> memref<56x496xf32, #tpu.memory_space<vmem>>
        %dma_start3A_243 = arith.constant 0 : i32
        %dma_start3A_244 = tpu.memref_slice %arg4[%select_n3A, %add3A_207, %multiple_of3A_239, %dma_start3A_243] : memref<4x64x432x496xf32, #tpu.memory_space<hbm>> -> memref<1x1x56x496xf32, #tpu.memory_space<hbm>>
        %dma_start3A_245 = tpu.memref_squeeze %dma_start3A_244 : memref<1x1x56x496xf32, #tpu.memory_space<hbm>> -> memref<56x496xf32, #tpu.memory_space<hbm>>
        %dma_start3A_246 = arith.constant 0 : i32
        %dma_start3A_247 = tpu.memref_slice %arg4[%select_n3A, %add3A_207, %multiple_of3A_239, %dma_start3A_246] : memref<4x64x432x496xf32, #tpu.memory_space<hbm>> -> memref<1x1x56x496xf32, #tpu.memory_space<hbm>>
        %dma_start3A_248 = tpu.memref_squeeze %dma_start3A_247 : memref<1x1x56x496xf32, #tpu.memory_space<hbm>> -> memref<56x496xf32, #tpu.memory_space<hbm>>
        %dma_start3A_249 = arith.constant 0 : i32
        %dma_start3A_250 = arith.constant 0 : i32
        %dma_start3A_251 = tpu.memref_slice %arg14[%dma_start3A_249, %dma_start3A_250] : memref<56x496xf32, #tpu.memory_space<vmem>> -> memref<56x496xf32, #tpu.memory_space<vmem>>
        tpu.enqueue_dma source(%dma_start3A_251 : memref<56x496xf32, #tpu.memory_space<vmem>>) target(%dma_start3A_248 : memref<56x496xf32, #tpu.memory_space<hbm>>) target_semaphore(%arg20 : memref<!tpu.dma_semaphore, #tpu.memory_space<semaphore_mem>>)
      } else {
      }
      %eq3A_228 = arith.constant 7 : i32
      %eq3A_229 = arith.cmpi eq, %select_n3A_30, %eq3A_228 : i32
      %convert_element_type3A_230 = arith.extui %eq3A_229 : i1 to i32
      %cond3A_231 = arith.constant 0 : i32
      %cond3A_232 = arith.cmpi ne, %convert_element_type3A_230, %cond3A_231 : i32
      scf.if %cond3A_232 {
        %multiple_of3A_239 = tpu.assume_multiple %mul3A_32, 8 : i32
        %dma_start3A_240 = arith.constant 0 : i32
        %dma_start3A_241 = arith.constant 0 : i32
        %dma_start3A_242 = tpu.memref_slice %arg14[%dma_start3A_240, %dma_start3A_241] : memref<56x496xf32, #tpu.memory_space<vmem>> -> memref<40x496xf32, #tpu.memory_space<vmem>>
        %dma_start3A_243 = arith.constant 0 : i32
        %dma_start3A_244 = tpu.memref_slice %arg4[%select_n3A, %add3A_207, %multiple_of3A_239, %dma_start3A_243] : memref<4x64x432x496xf32, #tpu.memory_space<hbm>> -> memref<1x1x40x496xf32, #tpu.memory_space<hbm>>
        %dma_start3A_245 = tpu.memref_squeeze %dma_start3A_244 : memref<1x1x40x496xf32, #tpu.memory_space<hbm>> -> memref<40x496xf32, #tpu.memory_space<hbm>>
        %dma_start3A_246 = arith.constant 0 : i32
        %dma_start3A_247 = tpu.memref_slice %arg4[%select_n3A, %add3A_207, %multiple_of3A_239, %dma_start3A_246] : memref<4x64x432x496xf32, #tpu.memory_space<hbm>> -> memref<1x1x40x496xf32, #tpu.memory_space<hbm>>
        %dma_start3A_248 = tpu.memref_squeeze %dma_start3A_247 : memref<1x1x40x496xf32, #tpu.memory_space<hbm>> -> memref<40x496xf32, #tpu.memory_space<hbm>>
        %dma_start3A_249 = arith.constant 0 : i32
        %dma_start3A_250 = arith.constant 0 : i32
        %dma_start3A_251 = tpu.memref_slice %arg14[%dma_start3A_249, %dma_start3A_250] : memref<56x496xf32, #tpu.memory_space<vmem>> -> memref<40x496xf32, #tpu.memory_space<vmem>>
        tpu.enqueue_dma source(%dma_start3A_251 : memref<40x496xf32, #tpu.memory_space<vmem>>) target(%dma_start3A_248 : memref<40x496xf32, #tpu.memory_space<hbm>>) target_semaphore(%arg20 : memref<!tpu.dma_semaphore, #tpu.memory_space<semaphore_mem>>)
      } else {
      }
      %lt3A_233 = arith.constant 31 : i32
      %lt3A_234 = arith.cmpi slt, %scan3A_172, %lt3A_233 : i32
      %convert_element_type3A_235 = arith.extui %lt3A_234 : i1 to i32
      %cond3A_236 = arith.constant 0 : i32
      %cond3A_237 = arith.cmpi ne, %convert_element_type3A_235, %cond3A_236 : i32
      scf.if %cond3A_237 {
        %add3A_239 = arith.constant 2 : i32
        %add3A_240 = arith.addi %add3A_207, %add3A_239 : i32
        %mul3A_241 = arith.constant 64 : i32
        %mul3A_242 = arith.muli %select_n3A, %mul3A_241 : i32
        %add3A_243 = arith.addi %mul3A_242, %add3A_240 : i32
        %mul3A_244 = arith.constant 12288 : i32
        %mul3A_245 = arith.muli %add3A_243, %mul3A_244 : i32
        %multiple_of3A_246 = tpu.assume_multiple %mul3A_245, 8 : i32
        %dma_start3A_247 = tpu.memref_slice %arg3[%multiple_of3A_246] : memref<3145728xf32, #tpu.memory_space<hbm>> -> memref<12000xf32, #tpu.memory_space<hbm>>
        %dma_start3A_248 = tpu.memref_slice %arg3[%multiple_of3A_246] : memref<3145728xf32, #tpu.memory_space<hbm>> -> memref<12000xf32, #tpu.memory_space<hbm>>
        tpu.enqueue_dma source(%dma_start3A_248 : memref<12000xf32, #tpu.memory_space<hbm>>) target(%arg12 : memref<12000xf32, #tpu.memory_space<vmem>>) target_semaphore(%arg18 : memref<!tpu.dma_semaphore, #tpu.memory_space<semaphore_mem>>)
      } else {
      }
      %scan3A_238 = arith.constant 0 : i32
      scf.yield %scan3A_238 : i32
    }
    %scan3A_153 = arith.constant 32 : i32
    %lt3A_154 = arith.constant 7 : i32
    %lt3A_155 = arith.cmpi slt, %select_n3A_30, %lt3A_154 : i32
    %convert_element_type3A = arith.extui %lt3A_155 : i1 to i32
    %cond3A = arith.constant 0 : i32
    %cond3A_156 = arith.cmpi ne, %convert_element_type3A, %cond3A : i32
    scf.if %cond3A_156 {
      %multiple_of3A_172 = tpu.assume_multiple %mul3A_32, 8 : i32
      %dma_wait3A = arith.constant 62 : i32
      %dma_wait3A_173 = arith.constant 0 : i32
      %dma_wait3A_174 = arith.constant 0 : i32
      %dma_wait3A_175 = tpu.memref_slice %arg13[%dma_wait3A_173, %dma_wait3A_174] : memref<56x496xf32, #tpu.memory_space<vmem>> -> memref<56x496xf32, #tpu.memory_space<vmem>>
      %dma_wait3A_176 = arith.constant 0 : i32
      %dma_wait3A_177 = tpu.memref_slice %arg4[%select_n3A, %dma_wait3A, %multiple_of3A_172, %dma_wait3A_176] : memref<4x64x432x496xf32, #tpu.memory_space<hbm>> -> memref<1x1x56x496xf32, #tpu.memory_space<hbm>>
      %dma_wait3A_178 = tpu.memref_squeeze %dma_wait3A_177 : memref<1x1x56x496xf32, #tpu.memory_space<hbm>> -> memref<56x496xf32, #tpu.memory_space<hbm>>
      %dma_wait3A_179 = arith.constant 0 : i32
      %dma_wait3A_180 = tpu.memref_slice %arg4[%select_n3A, %dma_wait3A, %multiple_of3A_172, %dma_wait3A_179] : memref<4x64x432x496xf32, #tpu.memory_space<hbm>> -> memref<1x1x56x496xf32, #tpu.memory_space<hbm>>
      %dma_wait3A_181 = tpu.memref_squeeze %dma_wait3A_180 : memref<1x1x56x496xf32, #tpu.memory_space<hbm>> -> memref<56x496xf32, #tpu.memory_space<hbm>>
      %dma_wait3A_182 = arith.constant 0 : i32
      %dma_wait3A_183 = arith.constant 0 : i32
      %dma_wait3A_184 = tpu.memref_slice %arg13[%dma_wait3A_182, %dma_wait3A_183] : memref<56x496xf32, #tpu.memory_space<vmem>> -> memref<56x496xf32, #tpu.memory_space<vmem>>
      tpu.wait_dma2 semaphore(%arg19 : memref<!tpu.dma_semaphore, #tpu.memory_space<semaphore_mem>>) src(%dma_wait3A_184 : memref<56x496xf32, #tpu.memory_space<vmem>>) dst(%dma_wait3A_181 : memref<56x496xf32, #tpu.memory_space<hbm>>)
    } else {
    }
    %eq3A_157 = arith.constant 7 : i32
    %eq3A_158 = arith.cmpi eq, %select_n3A_30, %eq3A_157 : i32
    %convert_element_type3A_159 = arith.extui %eq3A_158 : i1 to i32
    %cond3A_160 = arith.constant 0 : i32
    %cond3A_161 = arith.cmpi ne, %convert_element_type3A_159, %cond3A_160 : i32
    scf.if %cond3A_161 {
      %multiple_of3A_172 = tpu.assume_multiple %mul3A_32, 8 : i32
      %dma_wait3A = arith.constant 62 : i32
      %dma_wait3A_173 = arith.constant 0 : i32
      %dma_wait3A_174 = arith.constant 0 : i32
      %dma_wait3A_175 = tpu.memref_slice %arg13[%dma_wait3A_173, %dma_wait3A_174] : memref<56x496xf32, #tpu.memory_space<vmem>> -> memref<40x496xf32, #tpu.memory_space<vmem>>
      %dma_wait3A_176 = arith.constant 0 : i32
      %dma_wait3A_177 = tpu.memref_slice %arg4[%select_n3A, %dma_wait3A, %multiple_of3A_172, %dma_wait3A_176] : memref<4x64x432x496xf32, #tpu.memory_space<hbm>> -> memref<1x1x40x496xf32, #tpu.memory_space<hbm>>
      %dma_wait3A_178 = tpu.memref_squeeze %dma_wait3A_177 : memref<1x1x40x496xf32, #tpu.memory_space<hbm>> -> memref<40x496xf32, #tpu.memory_space<hbm>>
      %dma_wait3A_179 = arith.constant 0 : i32
      %dma_wait3A_180 = tpu.memref_slice %arg4[%select_n3A, %dma_wait3A, %multiple_of3A_172, %dma_wait3A_179] : memref<4x64x432x496xf32, #tpu.memory_space<hbm>> -> memref<1x1x40x496xf32, #tpu.memory_space<hbm>>
      %dma_wait3A_181 = tpu.memref_squeeze %dma_wait3A_180 : memref<1x1x40x496xf32, #tpu.memory_space<hbm>> -> memref<40x496xf32, #tpu.memory_space<hbm>>
      %dma_wait3A_182 = arith.constant 0 : i32
      %dma_wait3A_183 = arith.constant 0 : i32
      %dma_wait3A_184 = tpu.memref_slice %arg13[%dma_wait3A_182, %dma_wait3A_183] : memref<56x496xf32, #tpu.memory_space<vmem>> -> memref<40x496xf32, #tpu.memory_space<vmem>>
      tpu.wait_dma2 semaphore(%arg19 : memref<!tpu.dma_semaphore, #tpu.memory_space<semaphore_mem>>) src(%dma_wait3A_184 : memref<40x496xf32, #tpu.memory_space<vmem>>) dst(%dma_wait3A_181 : memref<40x496xf32, #tpu.memory_space<hbm>>)
    } else {
    }
    %lt3A_162 = arith.constant 7 : i32
    %lt3A_163 = arith.cmpi slt, %select_n3A_30, %lt3A_162 : i32
    %convert_element_type3A_164 = arith.extui %lt3A_163 : i1 to i32
    %cond3A_165 = arith.constant 0 : i32
    %cond3A_166 = arith.cmpi ne, %convert_element_type3A_164, %cond3A_165 : i32
    scf.if %cond3A_166 {
      %multiple_of3A_172 = tpu.assume_multiple %mul3A_32, 8 : i32
      %dma_wait3A = arith.constant 63 : i32
      %dma_wait3A_173 = arith.constant 0 : i32
      %dma_wait3A_174 = arith.constant 0 : i32
      %dma_wait3A_175 = tpu.memref_slice %arg14[%dma_wait3A_173, %dma_wait3A_174] : memref<56x496xf32, #tpu.memory_space<vmem>> -> memref<56x496xf32, #tpu.memory_space<vmem>>
      %dma_wait3A_176 = arith.constant 0 : i32
      %dma_wait3A_177 = tpu.memref_slice %arg4[%select_n3A, %dma_wait3A, %multiple_of3A_172, %dma_wait3A_176] : memref<4x64x432x496xf32, #tpu.memory_space<hbm>> -> memref<1x1x56x496xf32, #tpu.memory_space<hbm>>
      %dma_wait3A_178 = tpu.memref_squeeze %dma_wait3A_177 : memref<1x1x56x496xf32, #tpu.memory_space<hbm>> -> memref<56x496xf32, #tpu.memory_space<hbm>>
      %dma_wait3A_179 = arith.constant 0 : i32
      %dma_wait3A_180 = tpu.memref_slice %arg4[%select_n3A, %dma_wait3A, %multiple_of3A_172, %dma_wait3A_179] : memref<4x64x432x496xf32, #tpu.memory_space<hbm>> -> memref<1x1x56x496xf32, #tpu.memory_space<hbm>>
      %dma_wait3A_181 = tpu.memref_squeeze %dma_wait3A_180 : memref<1x1x56x496xf32, #tpu.memory_space<hbm>> -> memref<56x496xf32, #tpu.memory_space<hbm>>
      %dma_wait3A_182 = arith.constant 0 : i32
      %dma_wait3A_183 = arith.constant 0 : i32
      %dma_wait3A_184 = tpu.memref_slice %arg14[%dma_wait3A_182, %dma_wait3A_183] : memref<56x496xf32, #tpu.memory_space<vmem>> -> memref<56x496xf32, #tpu.memory_space<vmem>>
      tpu.wait_dma2 semaphore(%arg20 : memref<!tpu.dma_semaphore, #tpu.memory_space<semaphore_mem>>) src(%dma_wait3A_184 : memref<56x496xf32, #tpu.memory_space<vmem>>) dst(%dma_wait3A_181 : memref<56x496xf32, #tpu.memory_space<hbm>>)
    } else {
    }
    %eq3A_167 = arith.constant 7 : i32
    %eq3A_168 = arith.cmpi eq, %select_n3A_30, %eq3A_167 : i32
    %convert_element_type3A_169 = arith.extui %eq3A_168 : i1 to i32
    %cond3A_170 = arith.constant 0 : i32
    %cond3A_171 = arith.cmpi ne, %convert_element_type3A_169, %cond3A_170 : i32
    scf.if %cond3A_171 {
      %multiple_of3A_172 = tpu.assume_multiple %mul3A_32, 8 : i32
      %dma_wait3A = arith.constant 63 : i32
      %dma_wait3A_173 = arith.constant 0 : i32
      %dma_wait3A_174 = arith.constant 0 : i32
      %dma_wait3A_175 = tpu.memref_slice %arg14[%dma_wait3A_173, %dma_wait3A_174] : memref<56x496xf32, #tpu.memory_space<vmem>> -> memref<40x496xf32, #tpu.memory_space<vmem>>
      %dma_wait3A_176 = arith.constant 0 : i32
      %dma_wait3A_177 = tpu.memref_slice %arg4[%select_n3A, %dma_wait3A, %multiple_of3A_172, %dma_wait3A_176] : memref<4x64x432x496xf32, #tpu.memory_space<hbm>> -> memref<1x1x40x496xf32, #tpu.memory_space<hbm>>
      %dma_wait3A_178 = tpu.memref_squeeze %dma_wait3A_177 : memref<1x1x40x496xf32, #tpu.memory_space<hbm>> -> memref<40x496xf32, #tpu.memory_space<hbm>>
      %dma_wait3A_179 = arith.constant 0 : i32
      %dma_wait3A_180 = tpu.memref_slice %arg4[%select_n3A, %dma_wait3A, %multiple_of3A_172, %dma_wait3A_179] : memref<4x64x432x496xf32, #tpu.memory_space<hbm>> -> memref<1x1x40x496xf32, #tpu.memory_space<hbm>>
      %dma_wait3A_181 = tpu.memref_squeeze %dma_wait3A_180 : memref<1x1x40x496xf32, #tpu.memory_space<hbm>> -> memref<40x496xf32, #tpu.memory_space<hbm>>
      %dma_wait3A_182 = arith.constant 0 : i32
      %dma_wait3A_183 = arith.constant 0 : i32
      %dma_wait3A_184 = tpu.memref_slice %arg14[%dma_wait3A_182, %dma_wait3A_183] : memref<56x496xf32, #tpu.memory_space<vmem>> -> memref<40x496xf32, #tpu.memory_space<vmem>>
      tpu.wait_dma2 semaphore(%arg20 : memref<!tpu.dma_semaphore, #tpu.memory_space<semaphore_mem>>) src(%dma_wait3A_184 : memref<40x496xf32, #tpu.memory_space<vmem>>) dst(%dma_wait3A_181 : memref<40x496xf32, #tpu.memory_space<hbm>>)
    } else {
    }
    return
  }
}

module attributes {stable_mosaic.version = 14 : i64} {
  func.func @_stage_body(%arg0: i32, %arg1: memref<1x64x12000xf32, #tpu.memory_space<vmem>>, %arg2: memref<1x4x12000xi32, #tpu.memory_space<vmem>>, %arg3: memref<786432xf32, #tpu.memory_space<vmem>>, %arg4: memref<49152xi32, #tpu.memory_space<vmem>>) attributes {dimension_semantics = [#tpu.dimension_semantics<arbitrary>], iteration_bounds = array<i64: 4>, scalar_prefetch = 0 : i64, scratch_operands = 0 : i64, tpu.core_type = #tpu.core_type<tc>, window_params = [{transform_indices = @transform_0, window_bounds = array<i64: 1, 64, 12000>}, {transform_indices = @transform_1, window_bounds = array<i64: 1, 4, 12000>}, {transform_indices = @transform_2, window_bounds = array<i64: 786432>}, {transform_indices = @transform_3, window_bounds = array<i64: 49152>}]} {
    %get3A = arith.constant 0 : index
    %get3A_0 = arith.constant 0 : index
    %get3A_1 = arith.constant 0 : index
    %get3A_2 = vector.load %arg1[%get3A, %get3A_0, %get3A_1] : memref<1x64x12000xf32, #tpu.memory_space<vmem>>, vector<1x1x12000xf32>
    %get3A_3 = vector.shape_cast %get3A_2 : vector<1x1x12000xf32> to vector<12000xf32>
    %swap3A = arith.constant 0 : index
    %swap3A_4 = vector.load %arg3[%swap3A] : memref<786432xf32, #tpu.memory_space<vmem>>, vector<12000xf32>
    tpu.vector_store %arg3[%swap3A], %get3A_3 {strides = array<i32>} : memref<786432xf32, #tpu.memory_space<vmem>>, vector<12000xf32>,
    %get3A_5 = arith.constant 0 : index
    %get3A_6 = arith.constant 1 : index
    %get3A_7 = arith.constant 0 : index
    %get3A_8 = vector.load %arg1[%get3A_5, %get3A_6, %get3A_7] : memref<1x64x12000xf32, #tpu.memory_space<vmem>>, vector<1x1x12000xf32>
    %get3A_9 = vector.shape_cast %get3A_8 : vector<1x1x12000xf32> to vector<12000xf32>
    %swap3A_10 = arith.constant 12288 : index
    %swap3A_11 = vector.load %arg3[%swap3A_10] : memref<786432xf32, #tpu.memory_space<vmem>>, vector<12000xf32>
    tpu.vector_store %arg3[%swap3A_10], %get3A_9 {strides = array<i32>} : memref<786432xf32, #tpu.memory_space<vmem>>, vector<12000xf32>,
    %get3A_12 = arith.constant 0 : index
    %get3A_13 = arith.constant 2 : index
    %get3A_14 = arith.constant 0 : index
    %get3A_15 = vector.load %arg1[%get3A_12, %get3A_13, %get3A_14] : memref<1x64x12000xf32, #tpu.memory_space<vmem>>, vector<1x1x12000xf32>
    %get3A_16 = vector.shape_cast %get3A_15 : vector<1x1x12000xf32> to vector<12000xf32>
    %swap3A_17 = arith.constant 24576 : index
    %swap3A_18 = vector.load %arg3[%swap3A_17] : memref<786432xf32, #tpu.memory_space<vmem>>, vector<12000xf32>
    tpu.vector_store %arg3[%swap3A_17], %get3A_16 {strides = array<i32>} : memref<786432xf32, #tpu.memory_space<vmem>>, vector<12000xf32>,
    %get3A_19 = arith.constant 0 : index
    %get3A_20 = arith.constant 3 : index
    %get3A_21 = arith.constant 0 : index
    %get3A_22 = vector.load %arg1[%get3A_19, %get3A_20, %get3A_21] : memref<1x64x12000xf32, #tpu.memory_space<vmem>>, vector<1x1x12000xf32>
    %get3A_23 = vector.shape_cast %get3A_22 : vector<1x1x12000xf32> to vector<12000xf32>
    %swap3A_24 = arith.constant 36864 : index
    %swap3A_25 = vector.load %arg3[%swap3A_24] : memref<786432xf32, #tpu.memory_space<vmem>>, vector<12000xf32>
    tpu.vector_store %arg3[%swap3A_24], %get3A_23 {strides = array<i32>} : memref<786432xf32, #tpu.memory_space<vmem>>, vector<12000xf32>,
    %get3A_26 = arith.constant 0 : index
    %get3A_27 = arith.constant 4 : index
    %get3A_28 = arith.constant 0 : index
    %get3A_29 = vector.load %arg1[%get3A_26, %get3A_27, %get3A_28] : memref<1x64x12000xf32, #tpu.memory_space<vmem>>, vector<1x1x12000xf32>
    %get3A_30 = vector.shape_cast %get3A_29 : vector<1x1x12000xf32> to vector<12000xf32>
    %swap3A_31 = arith.constant 49152 : index
    %swap3A_32 = vector.load %arg3[%swap3A_31] : memref<786432xf32, #tpu.memory_space<vmem>>, vector<12000xf32>
    tpu.vector_store %arg3[%swap3A_31], %get3A_30 {strides = array<i32>} : memref<786432xf32, #tpu.memory_space<vmem>>, vector<12000xf32>,
    %get3A_33 = arith.constant 0 : index
    %get3A_34 = arith.constant 5 : index
    %get3A_35 = arith.constant 0 : index
    %get3A_36 = vector.load %arg1[%get3A_33, %get3A_34, %get3A_35] : memref<1x64x12000xf32, #tpu.memory_space<vmem>>, vector<1x1x12000xf32>
    %get3A_37 = vector.shape_cast %get3A_36 : vector<1x1x12000xf32> to vector<12000xf32>
    %swap3A_38 = arith.constant 61440 : index
    %swap3A_39 = vector.load %arg3[%swap3A_38] : memref<786432xf32, #tpu.memory_space<vmem>>, vector<12000xf32>
    tpu.vector_store %arg3[%swap3A_38], %get3A_37 {strides = array<i32>} : memref<786432xf32, #tpu.memory_space<vmem>>, vector<12000xf32>,
    %get3A_40 = arith.constant 0 : index
    %get3A_41 = arith.constant 6 : index
    %get3A_42 = arith.constant 0 : index
    %get3A_43 = vector.load %arg1[%get3A_40, %get3A_41, %get3A_42] : memref<1x64x12000xf32, #tpu.memory_space<vmem>>, vector<1x1x12000xf32>
    %get3A_44 = vector.shape_cast %get3A_43 : vector<1x1x12000xf32> to vector<12000xf32>
    %swap3A_45 = arith.constant 73728 : index
    %swap3A_46 = vector.load %arg3[%swap3A_45] : memref<786432xf32, #tpu.memory_space<vmem>>, vector<12000xf32>
    tpu.vector_store %arg3[%swap3A_45], %get3A_44 {strides = array<i32>} : memref<786432xf32, #tpu.memory_space<vmem>>, vector<12000xf32>,
    %get3A_47 = arith.constant 0 : index
    %get3A_48 = arith.constant 7 : index
    %get3A_49 = arith.constant 0 : index
    %get3A_50 = vector.load %arg1[%get3A_47, %get3A_48, %get3A_49] : memref<1x64x12000xf32, #tpu.memory_space<vmem>>, vector<1x1x12000xf32>
    %get3A_51 = vector.shape_cast %get3A_50 : vector<1x1x12000xf32> to vector<12000xf32>
    %swap3A_52 = arith.constant 86016 : index
    %swap3A_53 = vector.load %arg3[%swap3A_52] : memref<786432xf32, #tpu.memory_space<vmem>>, vector<12000xf32>
    tpu.vector_store %arg3[%swap3A_52], %get3A_51 {strides = array<i32>} : memref<786432xf32, #tpu.memory_space<vmem>>, vector<12000xf32>,
    %get3A_54 = arith.constant 0 : index
    %get3A_55 = arith.constant 8 : index
    %get3A_56 = arith.constant 0 : index
    %get3A_57 = vector.load %arg1[%get3A_54, %get3A_55, %get3A_56] : memref<1x64x12000xf32, #tpu.memory_space<vmem>>, vector<1x1x12000xf32>
    %get3A_58 = vector.shape_cast %get3A_57 : vector<1x1x12000xf32> to vector<12000xf32>
    %swap3A_59 = arith.constant 98304 : index
    %swap3A_60 = vector.load %arg3[%swap3A_59] : memref<786432xf32, #tpu.memory_space<vmem>>, vector<12000xf32>
    tpu.vector_store %arg3[%swap3A_59], %get3A_58 {strides = array<i32>} : memref<786432xf32, #tpu.memory_space<vmem>>, vector<12000xf32>,
    %get3A_61 = arith.constant 0 : index
    %get3A_62 = arith.constant 9 : index
    %get3A_63 = arith.constant 0 : index
    %get3A_64 = vector.load %arg1[%get3A_61, %get3A_62, %get3A_63] : memref<1x64x12000xf32, #tpu.memory_space<vmem>>, vector<1x1x12000xf32>
    %get3A_65 = vector.shape_cast %get3A_64 : vector<1x1x12000xf32> to vector<12000xf32>
    %swap3A_66 = arith.constant 110592 : index
    %swap3A_67 = vector.load %arg3[%swap3A_66] : memref<786432xf32, #tpu.memory_space<vmem>>, vector<12000xf32>
    tpu.vector_store %arg3[%swap3A_66], %get3A_65 {strides = array<i32>} : memref<786432xf32, #tpu.memory_space<vmem>>, vector<12000xf32>,
    %get3A_68 = arith.constant 0 : index
    %get3A_69 = arith.constant 10 : index
    %get3A_70 = arith.constant 0 : index
    %get3A_71 = vector.load %arg1[%get3A_68, %get3A_69, %get3A_70] : memref<1x64x12000xf32, #tpu.memory_space<vmem>>, vector<1x1x12000xf32>
    %get3A_72 = vector.shape_cast %get3A_71 : vector<1x1x12000xf32> to vector<12000xf32>
    %swap3A_73 = arith.constant 122880 : index
    %swap3A_74 = vector.load %arg3[%swap3A_73] : memref<786432xf32, #tpu.memory_space<vmem>>, vector<12000xf32>
    tpu.vector_store %arg3[%swap3A_73], %get3A_72 {strides = array<i32>} : memref<786432xf32, #tpu.memory_space<vmem>>, vector<12000xf32>,
    %get3A_75 = arith.constant 0 : index
    %get3A_76 = arith.constant 11 : index
    %get3A_77 = arith.constant 0 : index
    %get3A_78 = vector.load %arg1[%get3A_75, %get3A_76, %get3A_77] : memref<1x64x12000xf32, #tpu.memory_space<vmem>>, vector<1x1x12000xf32>
    %get3A_79 = vector.shape_cast %get3A_78 : vector<1x1x12000xf32> to vector<12000xf32>
    %swap3A_80 = arith.constant 135168 : index
    %swap3A_81 = vector.load %arg3[%swap3A_80] : memref<786432xf32, #tpu.memory_space<vmem>>, vector<12000xf32>
    tpu.vector_store %arg3[%swap3A_80], %get3A_79 {strides = array<i32>} : memref<786432xf32, #tpu.memory_space<vmem>>, vector<12000xf32>,
    %get3A_82 = arith.constant 0 : index
    %get3A_83 = arith.constant 12 : index
    %get3A_84 = arith.constant 0 : index
    %get3A_85 = vector.load %arg1[%get3A_82, %get3A_83, %get3A_84] : memref<1x64x12000xf32, #tpu.memory_space<vmem>>, vector<1x1x12000xf32>
    %get3A_86 = vector.shape_cast %get3A_85 : vector<1x1x12000xf32> to vector<12000xf32>
    %swap3A_87 = arith.constant 147456 : index
    %swap3A_88 = vector.load %arg3[%swap3A_87] : memref<786432xf32, #tpu.memory_space<vmem>>, vector<12000xf32>
    tpu.vector_store %arg3[%swap3A_87], %get3A_86 {strides = array<i32>} : memref<786432xf32, #tpu.memory_space<vmem>>, vector<12000xf32>,
    %get3A_89 = arith.constant 0 : index
    %get3A_90 = arith.constant 13 : index
    %get3A_91 = arith.constant 0 : index
    %get3A_92 = vector.load %arg1[%get3A_89, %get3A_90, %get3A_91] : memref<1x64x12000xf32, #tpu.memory_space<vmem>>, vector<1x1x12000xf32>
    %get3A_93 = vector.shape_cast %get3A_92 : vector<1x1x12000xf32> to vector<12000xf32>
    %swap3A_94 = arith.constant 159744 : index
    %swap3A_95 = vector.load %arg3[%swap3A_94] : memref<786432xf32, #tpu.memory_space<vmem>>, vector<12000xf32>
    tpu.vector_store %arg3[%swap3A_94], %get3A_93 {strides = array<i32>} : memref<786432xf32, #tpu.memory_space<vmem>>, vector<12000xf32>,
    %get3A_96 = arith.constant 0 : index
    %get3A_97 = arith.constant 14 : index
    %get3A_98 = arith.constant 0 : index
    %get3A_99 = vector.load %arg1[%get3A_96, %get3A_97, %get3A_98] : memref<1x64x12000xf32, #tpu.memory_space<vmem>>, vector<1x1x12000xf32>
    %get3A_100 = vector.shape_cast %get3A_99 : vector<1x1x12000xf32> to vector<12000xf32>
    %swap3A_101 = arith.constant 172032 : index
    %swap3A_102 = vector.load %arg3[%swap3A_101] : memref<786432xf32, #tpu.memory_space<vmem>>, vector<12000xf32>
    tpu.vector_store %arg3[%swap3A_101], %get3A_100 {strides = array<i32>} : memref<786432xf32, #tpu.memory_space<vmem>>, vector<12000xf32>,
    %get3A_103 = arith.constant 0 : index
    %get3A_104 = arith.constant 15 : index
    %get3A_105 = arith.constant 0 : index
    %get3A_106 = vector.load %arg1[%get3A_103, %get3A_104, %get3A_105] : memref<1x64x12000xf32, #tpu.memory_space<vmem>>, vector<1x1x12000xf32>
    %get3A_107 = vector.shape_cast %get3A_106 : vector<1x1x12000xf32> to vector<12000xf32>
    %swap3A_108 = arith.constant 184320 : index
    %swap3A_109 = vector.load %arg3[%swap3A_108] : memref<786432xf32, #tpu.memory_space<vmem>>, vector<12000xf32>
    tpu.vector_store %arg3[%swap3A_108], %get3A_107 {strides = array<i32>} : memref<786432xf32, #tpu.memory_space<vmem>>, vector<12000xf32>,
    %get3A_110 = arith.constant 0 : index
    %get3A_111 = arith.constant 16 : index
    %get3A_112 = arith.constant 0 : index
    %get3A_113 = vector.load %arg1[%get3A_110, %get3A_111, %get3A_112] : memref<1x64x12000xf32, #tpu.memory_space<vmem>>, vector<1x1x12000xf32>
    %get3A_114 = vector.shape_cast %get3A_113 : vector<1x1x12000xf32> to vector<12000xf32>
    %swap3A_115 = arith.constant 196608 : index
    %swap3A_116 = vector.load %arg3[%swap3A_115] : memref<786432xf32, #tpu.memory_space<vmem>>, vector<12000xf32>
    tpu.vector_store %arg3[%swap3A_115], %get3A_114 {strides = array<i32>} : memref<786432xf32, #tpu.memory_space<vmem>>, vector<12000xf32>,
    %get3A_117 = arith.constant 0 : index
    %get3A_118 = arith.constant 17 : index
    %get3A_119 = arith.constant 0 : index
    %get3A_120 = vector.load %arg1[%get3A_117, %get3A_118, %get3A_119] : memref<1x64x12000xf32, #tpu.memory_space<vmem>>, vector<1x1x12000xf32>
    %get3A_121 = vector.shape_cast %get3A_120 : vector<1x1x12000xf32> to vector<12000xf32>
    %swap3A_122 = arith.constant 208896 : index
    %swap3A_123 = vector.load %arg3[%swap3A_122] : memref<786432xf32, #tpu.memory_space<vmem>>, vector<12000xf32>
    tpu.vector_store %arg3[%swap3A_122], %get3A_121 {strides = array<i32>} : memref<786432xf32, #tpu.memory_space<vmem>>, vector<12000xf32>,
    %get3A_124 = arith.constant 0 : index
    %get3A_125 = arith.constant 18 : index
    %get3A_126 = arith.constant 0 : index
    %get3A_127 = vector.load %arg1[%get3A_124, %get3A_125, %get3A_126] : memref<1x64x12000xf32, #tpu.memory_space<vmem>>, vector<1x1x12000xf32>
    %get3A_128 = vector.shape_cast %get3A_127 : vector<1x1x12000xf32> to vector<12000xf32>
    %swap3A_129 = arith.constant 221184 : index
    %swap3A_130 = vector.load %arg3[%swap3A_129] : memref<786432xf32, #tpu.memory_space<vmem>>, vector<12000xf32>
    tpu.vector_store %arg3[%swap3A_129], %get3A_128 {strides = array<i32>} : memref<786432xf32, #tpu.memory_space<vmem>>, vector<12000xf32>,
    %get3A_131 = arith.constant 0 : index
    %get3A_132 = arith.constant 19 : index
    %get3A_133 = arith.constant 0 : index
    %get3A_134 = vector.load %arg1[%get3A_131, %get3A_132, %get3A_133] : memref<1x64x12000xf32, #tpu.memory_space<vmem>>, vector<1x1x12000xf32>
    %get3A_135 = vector.shape_cast %get3A_134 : vector<1x1x12000xf32> to vector<12000xf32>
    %swap3A_136 = arith.constant 233472 : index
    %swap3A_137 = vector.load %arg3[%swap3A_136] : memref<786432xf32, #tpu.memory_space<vmem>>, vector<12000xf32>
    tpu.vector_store %arg3[%swap3A_136], %get3A_135 {strides = array<i32>} : memref<786432xf32, #tpu.memory_space<vmem>>, vector<12000xf32>,
    %get3A_138 = arith.constant 0 : index
    %get3A_139 = arith.constant 20 : index
    %get3A_140 = arith.constant 0 : index
    %get3A_141 = vector.load %arg1[%get3A_138, %get3A_139, %get3A_140] : memref<1x64x12000xf32, #tpu.memory_space<vmem>>, vector<1x1x12000xf32>
    %get3A_142 = vector.shape_cast %get3A_141 : vector<1x1x12000xf32> to vector<12000xf32>
    %swap3A_143 = arith.constant 245760 : index
    %swap3A_144 = vector.load %arg3[%swap3A_143] : memref<786432xf32, #tpu.memory_space<vmem>>, vector<12000xf32>
    tpu.vector_store %arg3[%swap3A_143], %get3A_142 {strides = array<i32>} : memref<786432xf32, #tpu.memory_space<vmem>>, vector<12000xf32>,
    %get3A_145 = arith.constant 0 : index
    %get3A_146 = arith.constant 21 : index
    %get3A_147 = arith.constant 0 : index
    %get3A_148 = vector.load %arg1[%get3A_145, %get3A_146, %get3A_147] : memref<1x64x12000xf32, #tpu.memory_space<vmem>>, vector<1x1x12000xf32>
    %get3A_149 = vector.shape_cast %get3A_148 : vector<1x1x12000xf32> to vector<12000xf32>
    %swap3A_150 = arith.constant 258048 : index
    %swap3A_151 = vector.load %arg3[%swap3A_150] : memref<786432xf32, #tpu.memory_space<vmem>>, vector<12000xf32>
    tpu.vector_store %arg3[%swap3A_150], %get3A_149 {strides = array<i32>} : memref<786432xf32, #tpu.memory_space<vmem>>, vector<12000xf32>,
    %get3A_152 = arith.constant 0 : index
    %get3A_153 = arith.constant 22 : index
    %get3A_154 = arith.constant 0 : index
    %get3A_155 = vector.load %arg1[%get3A_152, %get3A_153, %get3A_154] : memref<1x64x12000xf32, #tpu.memory_space<vmem>>, vector<1x1x12000xf32>
    %get3A_156 = vector.shape_cast %get3A_155 : vector<1x1x12000xf32> to vector<12000xf32>
    %swap3A_157 = arith.constant 270336 : index
    %swap3A_158 = vector.load %arg3[%swap3A_157] : memref<786432xf32, #tpu.memory_space<vmem>>, vector<12000xf32>
    tpu.vector_store %arg3[%swap3A_157], %get3A_156 {strides = array<i32>} : memref<786432xf32, #tpu.memory_space<vmem>>, vector<12000xf32>,
    %get3A_159 = arith.constant 0 : index
    %get3A_160 = arith.constant 23 : index
    %get3A_161 = arith.constant 0 : index
    %get3A_162 = vector.load %arg1[%get3A_159, %get3A_160, %get3A_161] : memref<1x64x12000xf32, #tpu.memory_space<vmem>>, vector<1x1x12000xf32>
    %get3A_163 = vector.shape_cast %get3A_162 : vector<1x1x12000xf32> to vector<12000xf32>
    %swap3A_164 = arith.constant 282624 : index
    %swap3A_165 = vector.load %arg3[%swap3A_164] : memref<786432xf32, #tpu.memory_space<vmem>>, vector<12000xf32>
    tpu.vector_store %arg3[%swap3A_164], %get3A_163 {strides = array<i32>} : memref<786432xf32, #tpu.memory_space<vmem>>, vector<12000xf32>,
    %get3A_166 = arith.constant 0 : index
    %get3A_167 = arith.constant 24 : index
    %get3A_168 = arith.constant 0 : index
    %get3A_169 = vector.load %arg1[%get3A_166, %get3A_167, %get3A_168] : memref<1x64x12000xf32, #tpu.memory_space<vmem>>, vector<1x1x12000xf32>
    %get3A_170 = vector.shape_cast %get3A_169 : vector<1x1x12000xf32> to vector<12000xf32>
    %swap3A_171 = arith.constant 294912 : index
    %swap3A_172 = vector.load %arg3[%swap3A_171] : memref<786432xf32, #tpu.memory_space<vmem>>, vector<12000xf32>
    tpu.vector_store %arg3[%swap3A_171], %get3A_170 {strides = array<i32>} : memref<786432xf32, #tpu.memory_space<vmem>>, vector<12000xf32>,
    %get3A_173 = arith.constant 0 : index
    %get3A_174 = arith.constant 25 : index
    %get3A_175 = arith.constant 0 : index
    %get3A_176 = vector.load %arg1[%get3A_173, %get3A_174, %get3A_175] : memref<1x64x12000xf32, #tpu.memory_space<vmem>>, vector<1x1x12000xf32>
    %get3A_177 = vector.shape_cast %get3A_176 : vector<1x1x12000xf32> to vector<12000xf32>
    %swap3A_178 = arith.constant 307200 : index
    %swap3A_179 = vector.load %arg3[%swap3A_178] : memref<786432xf32, #tpu.memory_space<vmem>>, vector<12000xf32>
    tpu.vector_store %arg3[%swap3A_178], %get3A_177 {strides = array<i32>} : memref<786432xf32, #tpu.memory_space<vmem>>, vector<12000xf32>,
    %get3A_180 = arith.constant 0 : index
    %get3A_181 = arith.constant 26 : index
    %get3A_182 = arith.constant 0 : index
    %get3A_183 = vector.load %arg1[%get3A_180, %get3A_181, %get3A_182] : memref<1x64x12000xf32, #tpu.memory_space<vmem>>, vector<1x1x12000xf32>
    %get3A_184 = vector.shape_cast %get3A_183 : vector<1x1x12000xf32> to vector<12000xf32>
    %swap3A_185 = arith.constant 319488 : index
    %swap3A_186 = vector.load %arg3[%swap3A_185] : memref<786432xf32, #tpu.memory_space<vmem>>, vector<12000xf32>
    tpu.vector_store %arg3[%swap3A_185], %get3A_184 {strides = array<i32>} : memref<786432xf32, #tpu.memory_space<vmem>>, vector<12000xf32>,
    %get3A_187 = arith.constant 0 : index
    %get3A_188 = arith.constant 27 : index
    %get3A_189 = arith.constant 0 : index
    %get3A_190 = vector.load %arg1[%get3A_187, %get3A_188, %get3A_189] : memref<1x64x12000xf32, #tpu.memory_space<vmem>>, vector<1x1x12000xf32>
    %get3A_191 = vector.shape_cast %get3A_190 : vector<1x1x12000xf32> to vector<12000xf32>
    %swap3A_192 = arith.constant 331776 : index
    %swap3A_193 = vector.load %arg3[%swap3A_192] : memref<786432xf32, #tpu.memory_space<vmem>>, vector<12000xf32>
    tpu.vector_store %arg3[%swap3A_192], %get3A_191 {strides = array<i32>} : memref<786432xf32, #tpu.memory_space<vmem>>, vector<12000xf32>,
    %get3A_194 = arith.constant 0 : index
    %get3A_195 = arith.constant 28 : index
    %get3A_196 = arith.constant 0 : index
    %get3A_197 = vector.load %arg1[%get3A_194, %get3A_195, %get3A_196] : memref<1x64x12000xf32, #tpu.memory_space<vmem>>, vector<1x1x12000xf32>
    %get3A_198 = vector.shape_cast %get3A_197 : vector<1x1x12000xf32> to vector<12000xf32>
    %swap3A_199 = arith.constant 344064 : index
    %swap3A_200 = vector.load %arg3[%swap3A_199] : memref<786432xf32, #tpu.memory_space<vmem>>, vector<12000xf32>
    tpu.vector_store %arg3[%swap3A_199], %get3A_198 {strides = array<i32>} : memref<786432xf32, #tpu.memory_space<vmem>>, vector<12000xf32>,
    %get3A_201 = arith.constant 0 : index
    %get3A_202 = arith.constant 29 : index
    %get3A_203 = arith.constant 0 : index
    %get3A_204 = vector.load %arg1[%get3A_201, %get3A_202, %get3A_203] : memref<1x64x12000xf32, #tpu.memory_space<vmem>>, vector<1x1x12000xf32>
    %get3A_205 = vector.shape_cast %get3A_204 : vector<1x1x12000xf32> to vector<12000xf32>
    %swap3A_206 = arith.constant 356352 : index
    %swap3A_207 = vector.load %arg3[%swap3A_206] : memref<786432xf32, #tpu.memory_space<vmem>>, vector<12000xf32>
    tpu.vector_store %arg3[%swap3A_206], %get3A_205 {strides = array<i32>} : memref<786432xf32, #tpu.memory_space<vmem>>, vector<12000xf32>,
    %get3A_208 = arith.constant 0 : index
    %get3A_209 = arith.constant 30 : index
    %get3A_210 = arith.constant 0 : index
    %get3A_211 = vector.load %arg1[%get3A_208, %get3A_209, %get3A_210] : memref<1x64x12000xf32, #tpu.memory_space<vmem>>, vector<1x1x12000xf32>
    %get3A_212 = vector.shape_cast %get3A_211 : vector<1x1x12000xf32> to vector<12000xf32>
    %swap3A_213 = arith.constant 368640 : index
    %swap3A_214 = vector.load %arg3[%swap3A_213] : memref<786432xf32, #tpu.memory_space<vmem>>, vector<12000xf32>
    tpu.vector_store %arg3[%swap3A_213], %get3A_212 {strides = array<i32>} : memref<786432xf32, #tpu.memory_space<vmem>>, vector<12000xf32>,
    %get3A_215 = arith.constant 0 : index
    %get3A_216 = arith.constant 31 : index
    %get3A_217 = arith.constant 0 : index
    %get3A_218 = vector.load %arg1[%get3A_215, %get3A_216, %get3A_217] : memref<1x64x12000xf32, #tpu.memory_space<vmem>>, vector<1x1x12000xf32>
    %get3A_219 = vector.shape_cast %get3A_218 : vector<1x1x12000xf32> to vector<12000xf32>
    %swap3A_220 = arith.constant 380928 : index
    %swap3A_221 = vector.load %arg3[%swap3A_220] : memref<786432xf32, #tpu.memory_space<vmem>>, vector<12000xf32>
    tpu.vector_store %arg3[%swap3A_220], %get3A_219 {strides = array<i32>} : memref<786432xf32, #tpu.memory_space<vmem>>, vector<12000xf32>,
    %get3A_222 = arith.constant 0 : index
    %get3A_223 = arith.constant 32 : index
    %get3A_224 = arith.constant 0 : index
    %get3A_225 = vector.load %arg1[%get3A_222, %get3A_223, %get3A_224] : memref<1x64x12000xf32, #tpu.memory_space<vmem>>, vector<1x1x12000xf32>
    %get3A_226 = vector.shape_cast %get3A_225 : vector<1x1x12000xf32> to vector<12000xf32>
    %swap3A_227 = arith.constant 393216 : index
    %swap3A_228 = vector.load %arg3[%swap3A_227] : memref<786432xf32, #tpu.memory_space<vmem>>, vector<12000xf32>
    tpu.vector_store %arg3[%swap3A_227], %get3A_226 {strides = array<i32>} : memref<786432xf32, #tpu.memory_space<vmem>>, vector<12000xf32>,
    %get3A_229 = arith.constant 0 : index
    %get3A_230 = arith.constant 33 : index
    %get3A_231 = arith.constant 0 : index
    %get3A_232 = vector.load %arg1[%get3A_229, %get3A_230, %get3A_231] : memref<1x64x12000xf32, #tpu.memory_space<vmem>>, vector<1x1x12000xf32>
    %get3A_233 = vector.shape_cast %get3A_232 : vector<1x1x12000xf32> to vector<12000xf32>
    %swap3A_234 = arith.constant 405504 : index
    %swap3A_235 = vector.load %arg3[%swap3A_234] : memref<786432xf32, #tpu.memory_space<vmem>>, vector<12000xf32>
    tpu.vector_store %arg3[%swap3A_234], %get3A_233 {strides = array<i32>} : memref<786432xf32, #tpu.memory_space<vmem>>, vector<12000xf32>,
    %get3A_236 = arith.constant 0 : index
    %get3A_237 = arith.constant 34 : index
    %get3A_238 = arith.constant 0 : index
    %get3A_239 = vector.load %arg1[%get3A_236, %get3A_237, %get3A_238] : memref<1x64x12000xf32, #tpu.memory_space<vmem>>, vector<1x1x12000xf32>
    %get3A_240 = vector.shape_cast %get3A_239 : vector<1x1x12000xf32> to vector<12000xf32>
    %swap3A_241 = arith.constant 417792 : index
    %swap3A_242 = vector.load %arg3[%swap3A_241] : memref<786432xf32, #tpu.memory_space<vmem>>, vector<12000xf32>
    tpu.vector_store %arg3[%swap3A_241], %get3A_240 {strides = array<i32>} : memref<786432xf32, #tpu.memory_space<vmem>>, vector<12000xf32>,
    %get3A_243 = arith.constant 0 : index
    %get3A_244 = arith.constant 35 : index
    %get3A_245 = arith.constant 0 : index
    %get3A_246 = vector.load %arg1[%get3A_243, %get3A_244, %get3A_245] : memref<1x64x12000xf32, #tpu.memory_space<vmem>>, vector<1x1x12000xf32>
    %get3A_247 = vector.shape_cast %get3A_246 : vector<1x1x12000xf32> to vector<12000xf32>
    %swap3A_248 = arith.constant 430080 : index
    %swap3A_249 = vector.load %arg3[%swap3A_248] : memref<786432xf32, #tpu.memory_space<vmem>>, vector<12000xf32>
    tpu.vector_store %arg3[%swap3A_248], %get3A_247 {strides = array<i32>} : memref<786432xf32, #tpu.memory_space<vmem>>, vector<12000xf32>,
    %get3A_250 = arith.constant 0 : index
    %get3A_251 = arith.constant 36 : index
    %get3A_252 = arith.constant 0 : index
    %get3A_253 = vector.load %arg1[%get3A_250, %get3A_251, %get3A_252] : memref<1x64x12000xf32, #tpu.memory_space<vmem>>, vector<1x1x12000xf32>
    %get3A_254 = vector.shape_cast %get3A_253 : vector<1x1x12000xf32> to vector<12000xf32>
    %swap3A_255 = arith.constant 442368 : index
    %swap3A_256 = vector.load %arg3[%swap3A_255] : memref<786432xf32, #tpu.memory_space<vmem>>, vector<12000xf32>
    tpu.vector_store %arg3[%swap3A_255], %get3A_254 {strides = array<i32>} : memref<786432xf32, #tpu.memory_space<vmem>>, vector<12000xf32>,
    %get3A_257 = arith.constant 0 : index
    %get3A_258 = arith.constant 37 : index
    %get3A_259 = arith.constant 0 : index
    %get3A_260 = vector.load %arg1[%get3A_257, %get3A_258, %get3A_259] : memref<1x64x12000xf32, #tpu.memory_space<vmem>>, vector<1x1x12000xf32>
    %get3A_261 = vector.shape_cast %get3A_260 : vector<1x1x12000xf32> to vector<12000xf32>
    %swap3A_262 = arith.constant 454656 : index
    %swap3A_263 = vector.load %arg3[%swap3A_262] : memref<786432xf32, #tpu.memory_space<vmem>>, vector<12000xf32>
    tpu.vector_store %arg3[%swap3A_262], %get3A_261 {strides = array<i32>} : memref<786432xf32, #tpu.memory_space<vmem>>, vector<12000xf32>,
    %get3A_264 = arith.constant 0 : index
    %get3A_265 = arith.constant 38 : index
    %get3A_266 = arith.constant 0 : index
    %get3A_267 = vector.load %arg1[%get3A_264, %get3A_265, %get3A_266] : memref<1x64x12000xf32, #tpu.memory_space<vmem>>, vector<1x1x12000xf32>
    %get3A_268 = vector.shape_cast %get3A_267 : vector<1x1x12000xf32> to vector<12000xf32>
    %swap3A_269 = arith.constant 466944 : index
    %swap3A_270 = vector.load %arg3[%swap3A_269] : memref<786432xf32, #tpu.memory_space<vmem>>, vector<12000xf32>
    tpu.vector_store %arg3[%swap3A_269], %get3A_268 {strides = array<i32>} : memref<786432xf32, #tpu.memory_space<vmem>>, vector<12000xf32>,
    %get3A_271 = arith.constant 0 : index
    %get3A_272 = arith.constant 39 : index
    %get3A_273 = arith.constant 0 : index
    %get3A_274 = vector.load %arg1[%get3A_271, %get3A_272, %get3A_273] : memref<1x64x12000xf32, #tpu.memory_space<vmem>>, vector<1x1x12000xf32>
    %get3A_275 = vector.shape_cast %get3A_274 : vector<1x1x12000xf32> to vector<12000xf32>
    %swap3A_276 = arith.constant 479232 : index
    %swap3A_277 = vector.load %arg3[%swap3A_276] : memref<786432xf32, #tpu.memory_space<vmem>>, vector<12000xf32>
    tpu.vector_store %arg3[%swap3A_276], %get3A_275 {strides = array<i32>} : memref<786432xf32, #tpu.memory_space<vmem>>, vector<12000xf32>,
    %get3A_278 = arith.constant 0 : index
    %get3A_279 = arith.constant 40 : index
    %get3A_280 = arith.constant 0 : index
    %get3A_281 = vector.load %arg1[%get3A_278, %get3A_279, %get3A_280] : memref<1x64x12000xf32, #tpu.memory_space<vmem>>, vector<1x1x12000xf32>
    %get3A_282 = vector.shape_cast %get3A_281 : vector<1x1x12000xf32> to vector<12000xf32>
    %swap3A_283 = arith.constant 491520 : index
    %swap3A_284 = vector.load %arg3[%swap3A_283] : memref<786432xf32, #tpu.memory_space<vmem>>, vector<12000xf32>
    tpu.vector_store %arg3[%swap3A_283], %get3A_282 {strides = array<i32>} : memref<786432xf32, #tpu.memory_space<vmem>>, vector<12000xf32>,
    %get3A_285 = arith.constant 0 : index
    %get3A_286 = arith.constant 41 : index
    %get3A_287 = arith.constant 0 : index
    %get3A_288 = vector.load %arg1[%get3A_285, %get3A_286, %get3A_287] : memref<1x64x12000xf32, #tpu.memory_space<vmem>>, vector<1x1x12000xf32>
    %get3A_289 = vector.shape_cast %get3A_288 : vector<1x1x12000xf32> to vector<12000xf32>
    %swap3A_290 = arith.constant 503808 : index
    %swap3A_291 = vector.load %arg3[%swap3A_290] : memref<786432xf32, #tpu.memory_space<vmem>>, vector<12000xf32>
    tpu.vector_store %arg3[%swap3A_290], %get3A_289 {strides = array<i32>} : memref<786432xf32, #tpu.memory_space<vmem>>, vector<12000xf32>,
    %get3A_292 = arith.constant 0 : index
    %get3A_293 = arith.constant 42 : index
    %get3A_294 = arith.constant 0 : index
    %get3A_295 = vector.load %arg1[%get3A_292, %get3A_293, %get3A_294] : memref<1x64x12000xf32, #tpu.memory_space<vmem>>, vector<1x1x12000xf32>
    %get3A_296 = vector.shape_cast %get3A_295 : vector<1x1x12000xf32> to vector<12000xf32>
    %swap3A_297 = arith.constant 516096 : index
    %swap3A_298 = vector.load %arg3[%swap3A_297] : memref<786432xf32, #tpu.memory_space<vmem>>, vector<12000xf32>
    tpu.vector_store %arg3[%swap3A_297], %get3A_296 {strides = array<i32>} : memref<786432xf32, #tpu.memory_space<vmem>>, vector<12000xf32>,
    %get3A_299 = arith.constant 0 : index
    %get3A_300 = arith.constant 43 : index
    %get3A_301 = arith.constant 0 : index
    %get3A_302 = vector.load %arg1[%get3A_299, %get3A_300, %get3A_301] : memref<1x64x12000xf32, #tpu.memory_space<vmem>>, vector<1x1x12000xf32>
    %get3A_303 = vector.shape_cast %get3A_302 : vector<1x1x12000xf32> to vector<12000xf32>
    %swap3A_304 = arith.constant 528384 : index
    %swap3A_305 = vector.load %arg3[%swap3A_304] : memref<786432xf32, #tpu.memory_space<vmem>>, vector<12000xf32>
    tpu.vector_store %arg3[%swap3A_304], %get3A_303 {strides = array<i32>} : memref<786432xf32, #tpu.memory_space<vmem>>, vector<12000xf32>,
    %get3A_306 = arith.constant 0 : index
    %get3A_307 = arith.constant 44 : index
    %get3A_308 = arith.constant 0 : index
    %get3A_309 = vector.load %arg1[%get3A_306, %get3A_307, %get3A_308] : memref<1x64x12000xf32, #tpu.memory_space<vmem>>, vector<1x1x12000xf32>
    %get3A_310 = vector.shape_cast %get3A_309 : vector<1x1x12000xf32> to vector<12000xf32>
    %swap3A_311 = arith.constant 540672 : index
    %swap3A_312 = vector.load %arg3[%swap3A_311] : memref<786432xf32, #tpu.memory_space<vmem>>, vector<12000xf32>
    tpu.vector_store %arg3[%swap3A_311], %get3A_310 {strides = array<i32>} : memref<786432xf32, #tpu.memory_space<vmem>>, vector<12000xf32>,
    %get3A_313 = arith.constant 0 : index
    %get3A_314 = arith.constant 45 : index
    %get3A_315 = arith.constant 0 : index
    %get3A_316 = vector.load %arg1[%get3A_313, %get3A_314, %get3A_315] : memref<1x64x12000xf32, #tpu.memory_space<vmem>>, vector<1x1x12000xf32>
    %get3A_317 = vector.shape_cast %get3A_316 : vector<1x1x12000xf32> to vector<12000xf32>
    %swap3A_318 = arith.constant 552960 : index
    %swap3A_319 = vector.load %arg3[%swap3A_318] : memref<786432xf32, #tpu.memory_space<vmem>>, vector<12000xf32>
    tpu.vector_store %arg3[%swap3A_318], %get3A_317 {strides = array<i32>} : memref<786432xf32, #tpu.memory_space<vmem>>, vector<12000xf32>,
    %get3A_320 = arith.constant 0 : index
    %get3A_321 = arith.constant 46 : index
    %get3A_322 = arith.constant 0 : index
    %get3A_323 = vector.load %arg1[%get3A_320, %get3A_321, %get3A_322] : memref<1x64x12000xf32, #tpu.memory_space<vmem>>, vector<1x1x12000xf32>
    %get3A_324 = vector.shape_cast %get3A_323 : vector<1x1x12000xf32> to vector<12000xf32>
    %swap3A_325 = arith.constant 565248 : index
    %swap3A_326 = vector.load %arg3[%swap3A_325] : memref<786432xf32, #tpu.memory_space<vmem>>, vector<12000xf32>
    tpu.vector_store %arg3[%swap3A_325], %get3A_324 {strides = array<i32>} : memref<786432xf32, #tpu.memory_space<vmem>>, vector<12000xf32>,
    %get3A_327 = arith.constant 0 : index
    %get3A_328 = arith.constant 47 : index
    %get3A_329 = arith.constant 0 : index
    %get3A_330 = vector.load %arg1[%get3A_327, %get3A_328, %get3A_329] : memref<1x64x12000xf32, #tpu.memory_space<vmem>>, vector<1x1x12000xf32>
    %get3A_331 = vector.shape_cast %get3A_330 : vector<1x1x12000xf32> to vector<12000xf32>
    %swap3A_332 = arith.constant 577536 : index
    %swap3A_333 = vector.load %arg3[%swap3A_332] : memref<786432xf32, #tpu.memory_space<vmem>>, vector<12000xf32>
    tpu.vector_store %arg3[%swap3A_332], %get3A_331 {strides = array<i32>} : memref<786432xf32, #tpu.memory_space<vmem>>, vector<12000xf32>,
    %get3A_334 = arith.constant 0 : index
    %get3A_335 = arith.constant 48 : index
    %get3A_336 = arith.constant 0 : index
    %get3A_337 = vector.load %arg1[%get3A_334, %get3A_335, %get3A_336] : memref<1x64x12000xf32, #tpu.memory_space<vmem>>, vector<1x1x12000xf32>
    %get3A_338 = vector.shape_cast %get3A_337 : vector<1x1x12000xf32> to vector<12000xf32>
    %swap3A_339 = arith.constant 589824 : index
    %swap3A_340 = vector.load %arg3[%swap3A_339] : memref<786432xf32, #tpu.memory_space<vmem>>, vector<12000xf32>
    tpu.vector_store %arg3[%swap3A_339], %get3A_338 {strides = array<i32>} : memref<786432xf32, #tpu.memory_space<vmem>>, vector<12000xf32>,
    %get3A_341 = arith.constant 0 : index
    %get3A_342 = arith.constant 49 : index
    %get3A_343 = arith.constant 0 : index
    %get3A_344 = vector.load %arg1[%get3A_341, %get3A_342, %get3A_343] : memref<1x64x12000xf32, #tpu.memory_space<vmem>>, vector<1x1x12000xf32>
    %get3A_345 = vector.shape_cast %get3A_344 : vector<1x1x12000xf32> to vector<12000xf32>
    %swap3A_346 = arith.constant 602112 : index
    %swap3A_347 = vector.load %arg3[%swap3A_346] : memref<786432xf32, #tpu.memory_space<vmem>>, vector<12000xf32>
    tpu.vector_store %arg3[%swap3A_346], %get3A_345 {strides = array<i32>} : memref<786432xf32, #tpu.memory_space<vmem>>, vector<12000xf32>,
    %get3A_348 = arith.constant 0 : index
    %get3A_349 = arith.constant 50 : index
    %get3A_350 = arith.constant 0 : index
    %get3A_351 = vector.load %arg1[%get3A_348, %get3A_349, %get3A_350] : memref<1x64x12000xf32, #tpu.memory_space<vmem>>, vector<1x1x12000xf32>
    %get3A_352 = vector.shape_cast %get3A_351 : vector<1x1x12000xf32> to vector<12000xf32>
    %swap3A_353 = arith.constant 614400 : index
    %swap3A_354 = vector.load %arg3[%swap3A_353] : memref<786432xf32, #tpu.memory_space<vmem>>, vector<12000xf32>
    tpu.vector_store %arg3[%swap3A_353], %get3A_352 {strides = array<i32>} : memref<786432xf32, #tpu.memory_space<vmem>>, vector<12000xf32>,
    %get3A_355 = arith.constant 0 : index
    %get3A_356 = arith.constant 51 : index
    %get3A_357 = arith.constant 0 : index
    %get3A_358 = vector.load %arg1[%get3A_355, %get3A_356, %get3A_357] : memref<1x64x12000xf32, #tpu.memory_space<vmem>>, vector<1x1x12000xf32>
    %get3A_359 = vector.shape_cast %get3A_358 : vector<1x1x12000xf32> to vector<12000xf32>
    %swap3A_360 = arith.constant 626688 : index
    %swap3A_361 = vector.load %arg3[%swap3A_360] : memref<786432xf32, #tpu.memory_space<vmem>>, vector<12000xf32>
    tpu.vector_store %arg3[%swap3A_360], %get3A_359 {strides = array<i32>} : memref<786432xf32, #tpu.memory_space<vmem>>, vector<12000xf32>,
    %get3A_362 = arith.constant 0 : index
    %get3A_363 = arith.constant 52 : index
    %get3A_364 = arith.constant 0 : index
    %get3A_365 = vector.load %arg1[%get3A_362, %get3A_363, %get3A_364] : memref<1x64x12000xf32, #tpu.memory_space<vmem>>, vector<1x1x12000xf32>
    %get3A_366 = vector.shape_cast %get3A_365 : vector<1x1x12000xf32> to vector<12000xf32>
    %swap3A_367 = arith.constant 638976 : index
    %swap3A_368 = vector.load %arg3[%swap3A_367] : memref<786432xf32, #tpu.memory_space<vmem>>, vector<12000xf32>
    tpu.vector_store %arg3[%swap3A_367], %get3A_366 {strides = array<i32>} : memref<786432xf32, #tpu.memory_space<vmem>>, vector<12000xf32>,
    %get3A_369 = arith.constant 0 : index
    %get3A_370 = arith.constant 53 : index
    %get3A_371 = arith.constant 0 : index
    %get3A_372 = vector.load %arg1[%get3A_369, %get3A_370, %get3A_371] : memref<1x64x12000xf32, #tpu.memory_space<vmem>>, vector<1x1x12000xf32>
    %get3A_373 = vector.shape_cast %get3A_372 : vector<1x1x12000xf32> to vector<12000xf32>
    %swap3A_374 = arith.constant 651264 : index
    %swap3A_375 = vector.load %arg3[%swap3A_374] : memref<786432xf32, #tpu.memory_space<vmem>>, vector<12000xf32>
    tpu.vector_store %arg3[%swap3A_374], %get3A_373 {strides = array<i32>} : memref<786432xf32, #tpu.memory_space<vmem>>, vector<12000xf32>,
    %get3A_376 = arith.constant 0 : index
    %get3A_377 = arith.constant 54 : index
    %get3A_378 = arith.constant 0 : index
    %get3A_379 = vector.load %arg1[%get3A_376, %get3A_377, %get3A_378] : memref<1x64x12000xf32, #tpu.memory_space<vmem>>, vector<1x1x12000xf32>
    %get3A_380 = vector.shape_cast %get3A_379 : vector<1x1x12000xf32> to vector<12000xf32>
    %swap3A_381 = arith.constant 663552 : index
    %swap3A_382 = vector.load %arg3[%swap3A_381] : memref<786432xf32, #tpu.memory_space<vmem>>, vector<12000xf32>
    tpu.vector_store %arg3[%swap3A_381], %get3A_380 {strides = array<i32>} : memref<786432xf32, #tpu.memory_space<vmem>>, vector<12000xf32>,
    %get3A_383 = arith.constant 0 : index
    %get3A_384 = arith.constant 55 : index
    %get3A_385 = arith.constant 0 : index
    %get3A_386 = vector.load %arg1[%get3A_383, %get3A_384, %get3A_385] : memref<1x64x12000xf32, #tpu.memory_space<vmem>>, vector<1x1x12000xf32>
    %get3A_387 = vector.shape_cast %get3A_386 : vector<1x1x12000xf32> to vector<12000xf32>
    %swap3A_388 = arith.constant 675840 : index
    %swap3A_389 = vector.load %arg3[%swap3A_388] : memref<786432xf32, #tpu.memory_space<vmem>>, vector<12000xf32>
    tpu.vector_store %arg3[%swap3A_388], %get3A_387 {strides = array<i32>} : memref<786432xf32, #tpu.memory_space<vmem>>, vector<12000xf32>,
    %get3A_390 = arith.constant 0 : index
    %get3A_391 = arith.constant 56 : index
    %get3A_392 = arith.constant 0 : index
    %get3A_393 = vector.load %arg1[%get3A_390, %get3A_391, %get3A_392] : memref<1x64x12000xf32, #tpu.memory_space<vmem>>, vector<1x1x12000xf32>
    %get3A_394 = vector.shape_cast %get3A_393 : vector<1x1x12000xf32> to vector<12000xf32>
    %swap3A_395 = arith.constant 688128 : index
    %swap3A_396 = vector.load %arg3[%swap3A_395] : memref<786432xf32, #tpu.memory_space<vmem>>, vector<12000xf32>
    tpu.vector_store %arg3[%swap3A_395], %get3A_394 {strides = array<i32>} : memref<786432xf32, #tpu.memory_space<vmem>>, vector<12000xf32>,
    %get3A_397 = arith.constant 0 : index
    %get3A_398 = arith.constant 57 : index
    %get3A_399 = arith.constant 0 : index
    %get3A_400 = vector.load %arg1[%get3A_397, %get3A_398, %get3A_399] : memref<1x64x12000xf32, #tpu.memory_space<vmem>>, vector<1x1x12000xf32>
    %get3A_401 = vector.shape_cast %get3A_400 : vector<1x1x12000xf32> to vector<12000xf32>
    %swap3A_402 = arith.constant 700416 : index
    %swap3A_403 = vector.load %arg3[%swap3A_402] : memref<786432xf32, #tpu.memory_space<vmem>>, vector<12000xf32>
    tpu.vector_store %arg3[%swap3A_402], %get3A_401 {strides = array<i32>} : memref<786432xf32, #tpu.memory_space<vmem>>, vector<12000xf32>,
    %get3A_404 = arith.constant 0 : index
    %get3A_405 = arith.constant 58 : index
    %get3A_406 = arith.constant 0 : index
    %get3A_407 = vector.load %arg1[%get3A_404, %get3A_405, %get3A_406] : memref<1x64x12000xf32, #tpu.memory_space<vmem>>, vector<1x1x12000xf32>
    %get3A_408 = vector.shape_cast %get3A_407 : vector<1x1x12000xf32> to vector<12000xf32>
    %swap3A_409 = arith.constant 712704 : index
    %swap3A_410 = vector.load %arg3[%swap3A_409] : memref<786432xf32, #tpu.memory_space<vmem>>, vector<12000xf32>
    tpu.vector_store %arg3[%swap3A_409], %get3A_408 {strides = array<i32>} : memref<786432xf32, #tpu.memory_space<vmem>>, vector<12000xf32>,
    %get3A_411 = arith.constant 0 : index
    %get3A_412 = arith.constant 59 : index
    %get3A_413 = arith.constant 0 : index
    %get3A_414 = vector.load %arg1[%get3A_411, %get3A_412, %get3A_413] : memref<1x64x12000xf32, #tpu.memory_space<vmem>>, vector<1x1x12000xf32>
    %get3A_415 = vector.shape_cast %get3A_414 : vector<1x1x12000xf32> to vector<12000xf32>
    %swap3A_416 = arith.constant 724992 : index
    %swap3A_417 = vector.load %arg3[%swap3A_416] : memref<786432xf32, #tpu.memory_space<vmem>>, vector<12000xf32>
    tpu.vector_store %arg3[%swap3A_416], %get3A_415 {strides = array<i32>} : memref<786432xf32, #tpu.memory_space<vmem>>, vector<12000xf32>,
    %get3A_418 = arith.constant 0 : index
    %get3A_419 = arith.constant 60 : index
    %get3A_420 = arith.constant 0 : index
    %get3A_421 = vector.load %arg1[%get3A_418, %get3A_419, %get3A_420] : memref<1x64x12000xf32, #tpu.memory_space<vmem>>, vector<1x1x12000xf32>
    %get3A_422 = vector.shape_cast %get3A_421 : vector<1x1x12000xf32> to vector<12000xf32>
    %swap3A_423 = arith.constant 737280 : index
    %swap3A_424 = vector.load %arg3[%swap3A_423] : memref<786432xf32, #tpu.memory_space<vmem>>, vector<12000xf32>
    tpu.vector_store %arg3[%swap3A_423], %get3A_422 {strides = array<i32>} : memref<786432xf32, #tpu.memory_space<vmem>>, vector<12000xf32>,
    %get3A_425 = arith.constant 0 : index
    %get3A_426 = arith.constant 61 : index
    %get3A_427 = arith.constant 0 : index
    %get3A_428 = vector.load %arg1[%get3A_425, %get3A_426, %get3A_427] : memref<1x64x12000xf32, #tpu.memory_space<vmem>>, vector<1x1x12000xf32>
    %get3A_429 = vector.shape_cast %get3A_428 : vector<1x1x12000xf32> to vector<12000xf32>
    %swap3A_430 = arith.constant 749568 : index
    %swap3A_431 = vector.load %arg3[%swap3A_430] : memref<786432xf32, #tpu.memory_space<vmem>>, vector<12000xf32>
    tpu.vector_store %arg3[%swap3A_430], %get3A_429 {strides = array<i32>} : memref<786432xf32, #tpu.memory_space<vmem>>, vector<12000xf32>,
    %get3A_432 = arith.constant 0 : index
    %get3A_433 = arith.constant 62 : index
    %get3A_434 = arith.constant 0 : index
    %get3A_435 = vector.load %arg1[%get3A_432, %get3A_433, %get3A_434] : memref<1x64x12000xf32, #tpu.memory_space<vmem>>, vector<1x1x12000xf32>
    %get3A_436 = vector.shape_cast %get3A_435 : vector<1x1x12000xf32> to vector<12000xf32>
    %swap3A_437 = arith.constant 761856 : index
    %swap3A_438 = vector.load %arg3[%swap3A_437] : memref<786432xf32, #tpu.memory_space<vmem>>, vector<12000xf32>
    tpu.vector_store %arg3[%swap3A_437], %get3A_436 {strides = array<i32>} : memref<786432xf32, #tpu.memory_space<vmem>>, vector<12000xf32>,
    %get3A_439 = arith.constant 0 : index
    %get3A_440 = arith.constant 63 : index
    %get3A_441 = arith.constant 0 : index
    %get3A_442 = vector.load %arg1[%get3A_439, %get3A_440, %get3A_441] : memref<1x64x12000xf32, #tpu.memory_space<vmem>>, vector<1x1x12000xf32>
    %get3A_443 = vector.shape_cast %get3A_442 : vector<1x1x12000xf32> to vector<12000xf32>
    %swap3A_444 = arith.constant 774144 : index
    %swap3A_445 = vector.load %arg3[%swap3A_444] : memref<786432xf32, #tpu.memory_space<vmem>>, vector<12000xf32>
    tpu.vector_store %arg3[%swap3A_444], %get3A_443 {strides = array<i32>} : memref<786432xf32, #tpu.memory_space<vmem>>, vector<12000xf32>,
    %get3A_446 = arith.constant 0 : index
    %get3A_447 = arith.constant 0 : index
    %get3A_448 = arith.constant 0 : index
    %get3A_449 = vector.load %arg2[%get3A_446, %get3A_447, %get3A_448] : memref<1x4x12000xi32, #tpu.memory_space<vmem>>, vector<1x1x12000xi32>
    %get3A_450 = vector.shape_cast %get3A_449 : vector<1x1x12000xi32> to vector<12000xi32>
    %swap3A_451 = arith.constant 0 : index
    %swap3A_452 = vector.load %arg4[%swap3A_451] : memref<49152xi32, #tpu.memory_space<vmem>>, vector<12000xi32>
    tpu.vector_store %arg4[%swap3A_451], %get3A_450 {strides = array<i32>} : memref<49152xi32, #tpu.memory_space<vmem>>, vector<12000xi32>,
    %get3A_453 = arith.constant 0 : index
    %get3A_454 = arith.constant 1 : index
    %get3A_455 = arith.constant 0 : index
    %get3A_456 = vector.load %arg2[%get3A_453, %get3A_454, %get3A_455] : memref<1x4x12000xi32, #tpu.memory_space<vmem>>, vector<1x1x12000xi32>
    %get3A_457 = vector.shape_cast %get3A_456 : vector<1x1x12000xi32> to vector<12000xi32>
    %swap3A_458 = arith.constant 12288 : index
    %swap3A_459 = vector.load %arg4[%swap3A_458] : memref<49152xi32, #tpu.memory_space<vmem>>, vector<12000xi32>
    tpu.vector_store %arg4[%swap3A_458], %get3A_457 {strides = array<i32>} : memref<49152xi32, #tpu.memory_space<vmem>>, vector<12000xi32>,
    %get3A_460 = arith.constant 0 : index
    %get3A_461 = arith.constant 2 : index
    %get3A_462 = arith.constant 0 : index
    %get3A_463 = vector.load %arg2[%get3A_460, %get3A_461, %get3A_462] : memref<1x4x12000xi32, #tpu.memory_space<vmem>>, vector<1x1x12000xi32>
    %get3A_464 = vector.shape_cast %get3A_463 : vector<1x1x12000xi32> to vector<12000xi32>
    %swap3A_465 = arith.constant 24576 : index
    %swap3A_466 = vector.load %arg4[%swap3A_465] : memref<49152xi32, #tpu.memory_space<vmem>>, vector<12000xi32>
    tpu.vector_store %arg4[%swap3A_465], %get3A_464 {strides = array<i32>} : memref<49152xi32, #tpu.memory_space<vmem>>, vector<12000xi32>,
    %get3A_467 = arith.constant 0 : index
    %get3A_468 = arith.constant 3 : index
    %get3A_469 = arith.constant 0 : index
    %get3A_470 = vector.load %arg2[%get3A_467, %get3A_468, %get3A_469] : memref<1x4x12000xi32, #tpu.memory_space<vmem>>, vector<1x1x12000xi32>
    %get3A_471 = vector.shape_cast %get3A_470 : vector<1x1x12000xi32> to vector<12000xi32>
    %swap3A_472 = arith.constant 36864 : index
    %swap3A_473 = vector.load %arg4[%swap3A_472] : memref<49152xi32, #tpu.memory_space<vmem>>, vector<12000xi32>
    tpu.vector_store %arg4[%swap3A_472], %get3A_471 {strides = array<i32>} : memref<49152xi32, #tpu.memory_space<vmem>>, vector<12000xi32>,
    return
  }
  func.func @transform_0(%arg0: i32) -> (i32, i32, i32) {
    %c0_i32 = arith.constant 0 : i32
    %c0_i32_0 = arith.constant 0 : i32
    %c0_i32_1 = arith.constant 0 : i32
    return %arg0, %c0_i32, %c0_i32_0 : i32, i32, i32
  }
  func.func @transform_1(%arg0: i32) -> (i32, i32, i32) {
    %c0_i32 = arith.constant 0 : i32
    %c0_i32_0 = arith.constant 0 : i32
    %c0_i32_1 = arith.constant 0 : i32
    return %arg0, %c0_i32, %c0_i32_0 : i32, i32, i32
  }
  func.func @transform_2(%arg0: i32) -> i32 {
    %c0_i32 = arith.constant 0 : i32
    return %arg0 : i32
  }
  func.func @transform_3(%arg0: i32) -> i32 {
    %c0_i32 = arith.constant 0 : i32
    return %arg0 : i32
  }
}

</mosaic_0001>

<sc_bundles>
// kernel: kernel.4.cloned.1.call-start
scs
__scs_entry_jumppad:
0x0: {  	(pc) =	sbr.rel $0x88, $3  }
0x1: {  	(tag) =	ssettag $0x0;
	lr =	simm.s32 $0x1  }
0x2: {  	[smem:$0x3F9F] =	sst lr;
	_ =	strace $0xD0000000  }
0x3: {  	_ = 	snop  }
0x4: {  	_ = 	snop  }
0x5: {  	_ = 	snop  }
0x6: {  	_ = 	snop  }
0x7: {  	_ = 	snop  }
__scs_overlays_trampoline_lowered:
0x8: {  	[smem:$0x3FAE] =	sst s0  }
0x9: {  	[smem:$0x3FAF] =	sst s1  }
0xa: {  	[smem:$0x3FB0] =	sst s2  }
0xb: {  	[smem:$0x3FB1] =	sst s3  }
0xc: {  	[smem:$0x3FB2] =	sst s4  }
0xd: {  	[smem:$0x3FB3] =	sst s5  }
0xe: {  	[smem:$0x3FB4] =	sst s6  }
0xf: {  	[smem:$0x3FB5] =	sst s7  }
0x10: {  	[smem:$0x3FB6] =	sst s8  }
0x11: {  	[smem:$0x3FB7] =	sst s9;
	s0 =	simm.s32 @!p0 $0x0  }
0x12: {  	s1 =	sld [smem:$0x3F9D];
	s0 =	simm.s32 @p0 $0x1  }
0x13: {  	[smem:$0x3FB8] =	sst s0;
	s0 =	simm.s32 @!p1 $0x0  }
0x14: {  	s2 =	sld [smem:$0x3F9C];
	s0 =	simm.s32 @p1 $0x1  }
0x15: {  	[smem:$0x3FB9] =	sst s0;
	s0 =	simm.s32 @!p2 $0x0  }
0x16: {  	s3 =	sld [smem:$0x3FDB];
	s0 =	simm.s32 @p2 $0x1  }
0x17: {  	s4 =	simm.s32 $0x1BF5;
	[smem:$0x3FBB] =	sst s0  }
0x18: {  	s0 =	sld [smem:$0x3F9E];
	_ =	swait.ge [sflag:s4], $0x0  }
0x19: {  	s7 =	sld [smem:$0x3F9F]  }
0x1a: {  	s8 =	sadd.s32 $0xFFFFE003, lr  }
0x1b: {  	s9 =	sadd.s32 $0xFFFFFEF7, lr;
	s5 =	simm.s32 $0xFFFFFFFF;
	p2 =	slt.u32 s8, $0xFFFFF086  }
0x1c: {  	p1 =	slt.u32 s9, $0xF7A;
	s5 =	simm.s32 @!p2 $0x0  }
0x1d: {  	s5 =	simm.s32 @p1 $0x1;
	p0 =	seq.s32 s7, s2  }
0x1e: {  	s7 =	smul.u32 @!p0 $0xF7A, s2;
	p2 =	seq.s32 @!p0 s5, $0x0  }
0x1f: {  	s9 =	smul.u32 $0xF7A, s1;
	s8 =	simm.s32 @!p0 $0x1BF5;
	p2 =	por !p2, p0  }
0x20: {  	[sflag:s8] =	ssyncset.s32 @!p0 $0xFFFFF086;
	s6 =	sadd.s32 @!p0 s3, s7;
	s7 =	simm.s32 @!p0 $0x108  }
0x21: {  	s3 =	sadd.s32 s3, s9;
	s6 =	sadd.s32 @!p0 $0x88, s6;
	s7 =	simm.s32 @p2 $0x1082  }
0x22: {  	[simem:s7], [sflag:s8] =	dma.local @!p0 [hbm:s6], $0xF7A  }
0x23: {  	s9 =	sor.u32 $0xD0000000, s2;
	s6 =	simm.s32 $0x108;
	_ =	swait.ge @!p0 [sflag:s8], $0x0  }
0x24: {  	s3 =	sadd.s32 $0x88, s3;
	s6 =	simm.s32 @!p1 $0x1082;
	[sflag:s4] =	ssyncset.s32 $0xFFFFF086  }
0x25: {  	[simem:s6], [sflag:s4] =	dma.local [hbm:s3], $0xF7A  }
0x26: {  	[smem:$0x3F9F] =	sst s1;
	(tag) =	ssettag s2;
	_ =	strace s9  }
0x27: {  	s1 =	sld [smem:$0x3FAF]  }
0x28: {  	s2 =	sld [smem:$0x3FB0]  }
0x29: {  	s4 =	sld [smem:$0x3FB2]  }
0x2a: {  	p0 =	seq.s32 s5, $0x0;
	s5 =	sld [smem:$0x3FB3]  }
0x2b: {  	s6 =	sld [smem:$0x3FB4]  }
0x2c: {  	s7 =	sld [smem:$0x3FB5]  }
0x2d: {  	s3 =	simm.s32 $0x108;
	s8 =	sld [smem:$0x3FB6]  }
0x2e: {  	s3 =	simm.s32 @!p0 $0x1082;
	s9 =	sld [smem:$0x3FB7]  }
0x2f: {  	lr =	sadd.s32 s0, s3;
	s0 =	sld [smem:$0x3FAE]  }
0x30: {  	s3 =	sld [smem:$0x3FB1]  }
0x31: {  	[smem:$0x3FBA] =	sst s10  }
0x32: {  	s10 =	sld [smem:$0x3FB8];
	_ =	sdelay $0x3  }
0x33: {  	p0 =	seq.s32 s10, $0x1;
	s10 =	sld [smem:$0x3FBA];
	_ =	sdelay $0x3  }
0x34: {  	[smem:$0x3FBA] =	sst s10  }
0x35: {  	s10 =	sld [smem:$0x3FB9];
	_ =	sdelay $0x3  }
0x36: {  	p1 =	seq.s32 s10, $0x1;
	s10 =	sld [smem:$0x3FBA];
	_ =	sdelay $0x3  }
0x37: {  	[smem:$0x3FBA] =	sst s10  }
0x38: {  	s10 =	sld [smem:$0x3FBB]  }
0x39: {  	_ = 	snop;
	(pc) =	sbr.ind lr, $3  }
0x3a: {  	_ = 	snop  }
0x3b: {  	_ = 	snop  }
0x3c: {  	p2 =	seq.s32 s10, $0x1;
	s10 =	sld [smem:$0x3FBA]  }
0x3d: {  	_ =	shalt  }
0x3e: {  	_ =	shalt  }
0x3f: {  	_ =	shalt  }
0x40: {  	_ =	shalt  }
0x41: {  	_ =	shalt  }
0x42: {  	_ =	shalt  }
0x43: {  	_ =	shalt  }
0x44: {  	_ =	shalt  }
0x45: {  	_ =	shalt  }
0x46: {  	_ =	shalt  }
0x47: {  	_ =	shalt  }
0x48: {  	_ =	shalt  }
0x49: {  	_ =	shalt  }
0x4a: {  	_ =	shalt  }
0x4b: {  	_ =	shalt  }
0x4c: {  	_ =	shalt  }
0x4d: {  	_ =	shalt  }
0x4e: {  	_ =	shalt  }
0x4f: {  	_ =	shalt  }
0x50: {  	_ =	shalt  }
0x51: {  	_ =	shalt  }
0x52: {  	_ =	shalt  }
0x53: {  	_ =	shalt  }
0x54: {  	_ =	shalt  }
0x55: {  	_ =	shalt  }
0x56: {  	_ =	shalt  }
0x57: {  	_ =	shalt  }
0x58: {  	_ =	shalt  }
0x59: {  	_ =	shalt  }
0x5a: {  	_ =	shalt  }
0x5b: {  	_ =	shalt  }
0x5c: {  	_ =	shalt  }
0x5d: {  	_ =	shalt  }
0x5e: {  	_ =	shalt  }
0x5f: {  	_ =	shalt  }
0x60: {  	_ =	shalt  }
0x61: {  	_ =	shalt  }
0x62: {  	_ =	shalt  }
0x63: {  	_ =	shalt  }
0x64: {  	_ =	shalt  }
0x65: {  	_ =	shalt  }
0x66: {  	_ =	shalt  }
0x67: {  	_ =	shalt  }
0x68: {  	_ =	shalt  }
0x69: {  	_ =	shalt  }
0x6a: {  	_ =	shalt  }
0x6b: {  	_ =	shalt  }
0x6c: {  	_ =	shalt  }
0x6d: {  	_ =	shalt  }
0x6e: {  	_ =	shalt  }
0x6f: {  	_ =	shalt  }
0x70: {  	_ =	shalt  }
0x71: {  	_ =	shalt  }
0x72: {  	_ =	shalt  }
0x73: {  	_ =	shalt  }
0x74: {  	_ =	shalt  }
0x75: {  	_ =	shalt  }
0x76: {  	_ =	shalt  }
0x77: {  	_ =	shalt  }
0x78: {  	_ =	shalt  }
0x79: {  	_ =	shalt  }
0x7a: {  	_ =	shalt  }
0x7b: {  	_ =	shalt  }
0x7c: {  	_ =	shalt  }
0x7d: {  	_ =	shalt  }
0x7e: {  	_ =	shalt  }
0x7f: {  	_ =	shalt  }
0x80: {  	_ =	shalt  }
0x81: {  	_ =	shalt  }
0x82: {  	_ =	shalt  }
0x83: {  	_ =	shalt  }
0x84: {  	_ =	shalt  }
0x85: {  	_ =	shalt  }
0x86: {  	_ =	shalt  }
0x87: {  	_ =	shalt  }
.Lfunc_end0:
.L_simem_size_0:
called_computation_lowered:
.L_overlay_start_0:
0x88: {  	s2 =	sld [smem:$0x3FD9]  }
0x89: {  	s3 =	sld [smem:$0x3FFE];
	_ =	sdelay $0x1  }
0x8a: {  	s1 =	srdreg.scid  }
0x8b: {  	s0 =	sand.u32 $0x1, s1  }
0x8c: {  	s17 =	sshll.u32 s0, $0xA;
	s2 =	sadd.s32 s3, s2  }
0x8d: {  	s2 =	sadd.s32 s2, s17  }
0x8e: {  	[smem:$0x3FC6] =	sst s2  }
0x8f: {  	_ = 	snop  }
0x90: {  	s2 =	sld [smem:$0x3FD0];
	(tm) =	ssettm $0x1  }
0x91: {  	s18 =	sld [smem:$0x3FFB];
	_ =	sdelay $0x3  }
0x92: {  	_ =	strace s18  }
0x93: {  	s3 =	sld [smem:$0x3FFC];
	_ =	sdelay $0x3  }
0x94: {  	_ =	strace s3  }
0x95: {  	s3 =	sld [smem:$0x3FFD];
	_ =	sdelay $0x3  }
0x96: {  	_ =	strace s3  }
0x97: {  	_ =	strace $0x8FFFFFFF  }
0x98: {  	s19 =	sld [smem:$0x3FDB];
	_ =	sdelay $0x1  }
0x99: {  	s4 =	simm.s32 $_scs_section_size  }
0x9a: {  	s5 =	simm.s32 $_size__tile_overlayer_lowered;
	s6 =	simm.s32 $_tile_overlayer_lowered  }
0x9b: {  	s22 =	simm.s32 $0x1BFF;
	s21 =	sshll.u32 s6, $0x1;
	s3 =	sadd.s32 s4, s19  }
0x9c: {  	s7 =	simm.s32 $0x0;
	s20 =	sshll.u32 s5, $0x1;
	s5 =	sadd.s32 s21, s3  }
0x9d: {  	[timem:s7], [sflag:s22] =	dma.local [hbm:s5], s20  }
0x9e: {  	_ =	swait.ge [sflag:s22], s20  }
0x9f: {  	s4 =	ssub.s32 $0x0, s20;
	[sflag:s22] =	ssyncset.done $0x0  }
0xa0: {  	[sflag:s22] =	ssyncadd.s32 s4;
	_ =	sdelay $0x1  }
0xa1: {  	s23 =	simm.s32 $0x1B8B  }
0xa2: {  	_ =	swait.ge [sflag:s23], $0x1  }
0xa3: {  	[sflag:s23] =	ssyncset.done $0x0  }
0xa4: {  	s25 =	simm.s32 $0x1B8E;
	s24 =	sld [smem:$0x3FFE];
	[sflag:s23] =	ssyncadd.s32 $0xFFFFFFFF  }
0xa5: {  	s26 =	simm.s32 $execute0_lowered;
	[smem:$0x3FD2] =	sst s25  }
0xa6: {  	s5 =	sshll.u32 s26, $0x1;
	_ =	strace $0x80000046;
	[dreg:$0x1] =	wrdreg $0xFFFFFFFF  }
0xa7: {  	s28 =	simm.s32 $_size_execute0_lowered;
	s3 =	sadd.s32 s3, s5;
	[dreg:$0x0] =	wrdreg $0x0  }
0xa8: {  	s5 =	sshll.u32 s28, $0x1;
	[dreg:$0x2] =	wrdreg s3  }
0xa9: {  	[dreg:$0x3] =	wrdreg s5  }
0xaa: {  	[dreg:$0x4] =	wrdreg $0xC0  }
0xab: {  	_ =	task [dreg:s7], $0x5FFFF  }
0xac: {  	[dreg:$0x1] =	wrdreg $0xFFFFFFFF  }
0xad: {  	[dreg:$0x0] =	wrdreg $0x60  }
0xae: {  	[dreg:$0x2] =	wrdreg s24  }
0xaf: {  	[dreg:$0x3] =	wrdreg s2  }
0xb0: {  	[dreg:$0x4] =	wrdreg $0x9  }
0xb1: {  	_ =	task.clear_ibuf [dreg:s7], $0x5FFFF;
	_ =	strace $0x90000046  }
0xb2: {  	s29 =	simm.s32 $0x9;
	_ =	strace $0x80000048  }
0xb3: {  	_ =	swait.ge [sflag:s29], $0x1  }
0xb4: {  	[sflag:s29] =	ssyncadd.s32 $0xFFFFFFFF  }
0xb5: {  	_ =	strace $0x90000048  }
0xb6: {  	_ =	sfence  }
0xb7: {  	s30 =	sld [smem:$0x0];
	_ =	sdelay $0x2  }
0xb8: {  	s31 =	sshll.u32 s1, $0xD;
	s1 =	sshrl.u32 s1, $0x2  }
0xb9: {  	s3 =	sand.u32 $0x4000, s31;
	s1 =	sadd.s32 s1, s30  }
0xba: {  	s0 =	sor.u32 s3, s0;
	s1 =	sshll.u32 s1, $0x11  }
0xbb: {  	s0 =	sor.u32 s1, s0  }
0xbc: {  	s0 =	sadd.s32 $0x8F2B, s0  }
0xbd: {  	[sflag:s0] =	ssyncadd.remote.s32 $0x1  }
0xbe: {  	_ =	sfence.sel $0xFFFF  }
0xbf: {  	[dreg:$0x0] =	wrdreg $0xFFFFFFFF;
	(pc) =	sbr.abs _section_cstart, $3  }
0xc0: {  	[dreg:$0x1] =	wrdreg $0xFFFFFFFF  }
0xc1: {  	_ =	task.clear_ibuf [dreg:s7], $0x2FFFF;
	_ =	strace $0x9FFFFFFF  }
0xc2: {  	(tm) =	ssettm $0x7FFFFFFF  }
0xc3: {  	_ =	shalt  }
tec
execute0_lowered:
.L_overlay_start_1:
0x0: {  	(tag) =	ssettag $0x1  }
0x1: {  	s0 =	rddreg [dreg:$0x0];
	s3 =	simm.s32 $0x0;
	s1 =	stileid.u32  }
0x2: {  	s2 =	srdreg.scid;
	s11 =	simm.s32 $0x28;
	s28 =	simm.s32 $0xDE80  }
0x3: {  	s29 =	simm.s32 $0x3;
	s30 =	simm.s32 $0x10D80;
	s31 =	simm.s32 $0x4  }
0x4: {  	[smem:$0x7FF] =	sst s3;
	s4 =	sadd.s32 $0x60C00, s0;
	s9 =	sshrl.u32 s1, $0x2  }
0x5: {  	s5 =	sshll.u32 s1, $0x1;
	s2 =	sand.u32 $0x1, s2;
	s14 =	smul.u32 $0xC000, s9  }
0x6: {  	s6 =	sadd.s32 $0xC00, s0;
	_ =	strace $0x80000047;
	s13 =	smul.u32 $0x18000, s9  }
0x7: {  	s5 =	sand.u32 $0x6, s5;
	s8 =	ssub.s32 $0x2, s2;
	s20 =	smul.u32 $0xD80000, s9  }
0x8: {  	s24 =	sshll.u32 s9, $0x6;
	s9 =	simm.s32 $0xF00;
	s17 =	sor.u32 s2, s5  }
0x9: {  	s15 =	sshrl.u32 s8, $0x1;
	s25 =	sor.u32 $0x2, s24;
	s26 =	sor.u32 $0x3, s24  }
0xa: {  	s5 =	simm.s32 $0x500;
	s24 =	simm.s32 $0x1400;
	s10 =	smul.u32 $0x38, s17  }
0xb: {  	p0 =	seq.s32 s17, $0x7;
	s7 =	sor.u32 $0x3000, s14;
	s0 =	ssub.s32 s8, s15  }
0xc: {  	s8 =	sadd.s32 $0x6000, s14;
	s2 =	sshrl.u32 s14, $0x3;
	[dreg:$0xc] =	wrdreg s25  }
0xd: {  	s22 =	sadd.s32 s6, s13;
	s23 =	smul.u32 $0x7000, s17;
	[dreg:$0xd] =	wrdreg s26  }
0xe: {  	p1 =	sne.s32 s17, $0x7;
	s25 =	simm.s32 $0x2;
	[dreg:$0x3] =	wrdreg s17  }
0xf: {  	s26 =	simm.s32 $0xAF80;
	[dreg:$0x7] =	wrdreg s22;
	s1 =	sadd.s32 $0x600, s22  }
0x10: {  	s12 =	sshrl.u32 s7, $0x3;
	s0 =	smax.u32 s0, $0x1;
	[dreg:$0x9] =	wrdreg s1  }
0x11: {  	s18 =	sshrl.u32 s8, $0x3;
	s22 =	sor.u32 $0x31000, s20;
	[dreg:$0xe] =	wrdreg s0  }
0x12: {  	s2 =	sadd.s32 s4, s2;
	s16 =	sadd.s32 s4, s12;
	[dreg:$0xb] =	wrdreg s22  }
.Ltmp0:
0x13: {  	s19 =	sadd.s32 s4, s18;
	[dreg:$0x4] =	wrdreg s16;
	(pc) =	sbr.rel .LBB2_1-.Ltmp0, $4  }
0x14: {  	s11 =	simm.s32 @!p0 $0x38;
	s21 =	sadd.s32 $0x696, s2;
	[dreg:$0x5] =	wrdreg s19  }
0x15: {  	s11 =	sadd.s32 s10, s11;
	s2 =	sadd.s32 $0xC96, s2;
	[dreg:$0x6] =	wrdreg s21  }
0x16: {  	v2 =	vimm.s32 $0x2EE0;
	v3 =	vimm.f32 $0.0e+00;
	v4 =	vlaneseq.u32;
	s18 =	sor.u32 s20, s23;
	s23 =	simm.s32 $0x1;
	[dreg:$0x8] =	wrdreg s2  }
0x17: {  	v5 =	vimm.s32 $0x0;
	v0 =	vmov s10;
	s0 =	simm.s32 $0x17D80;
	v1 =	vmov s11;
	s2 =	simm.s32 $0x0;
	[dreg:$0xa] =	wrdreg s18  }
.LBB2_35:
0x18: {  	s1 =	simm.s32 $0x5  }
0x19: {  	_ =	swait.ge [sflag:s1], $0x7000  }
0x1a: {  	[sflag:s1] =	ssyncset.done $0x0  }
0x1b: {  	s22 =	simm.s32 $0x6;
	[sflag:s1] =	ssyncadd.s32 $0xFFFF9000  }
0x1c: {  	_ =	swait.ge [sflag:s22], $0x7000  }
0x1d: {  	[sflag:s22] =	ssyncset.done $0x0  }
0x1e: {  	s2 =	rddreg [dreg:$0xf];
	[sflag:s22] =	ssyncadd.s32 $0xFFFF9000  }
.LBB2_36:
0x1f: {  	s2 =	sadd.s32 $0x1, s2;
	s1 =	rddreg [dreg:$0xe]  }
0x20: {  	p2 =	sne.s32 s2, s1  }
.Ltmp1:
0x21: {  	_ = 	snop;
	(pc) =	sbr.rel @!p2 .LBB2_37-.Ltmp1, $2  }
0x22: {  	_ =	sdelay $0x2  }
0x23: {  	s5 =	simm.s32 $0x500;
	s9 =	simm.s32 $0xF00  }
.LBB2_1:
0x24: {  	[dreg:$0xf] =	wrdreg s2  }
0x25: {  	s1 =	rddreg [dreg:$0x4]  }
0x26: {  	[tilespmem:s3], [sflag:$0x1] =	stream.linear.gather [hbm4b:s1+s3], $0x4B0, $0x38;
	[tilespmem:$0x1ED80] =	vst v63  }
0x27: {  	s19 =	rddreg [dreg:$0x5];
	s20 =	simm.s32 $0xA00  }
0x28: {  	[tilespmem:s20], [sflag:$0x1] =	stream.linear.gather [hbm4b:s19+s3], $0x4B0, $0x38;
	[tilespmem:$0x1ED80] =	vst v63  }
0x29: {  	s21 =	rddreg [dreg:$0x6]  }
0x2a: {  	[tilespmem:s5], [sflag:$0x2] =	stream.linear.gather [hbm4b:s21+s3], $0x4B0, $0x38;
	[tilespmem:$0x1ED80] =	vst v63  }
0x2b: {  	s22 =	rddreg [dreg:$0x8];
	s2 =	simm.s32 $0x1430  }
0x2c: {  	[tilespmem:s9], [sflag:$0x2] =	stream.linear.gather [hbm4b:s22+s3], $0x4B0, $0x38;
	[tilespmem:$0x1ED80] =	vst v63  }
0x2d: {  	[tilespmem:s2+$0xFFFFFFD0] =	vst v2  }
0x2e: {  	[tilespmem:s2+$0x20] =	vst v2  }
0x2f: {  	[tilespmem:s2+$0x10] =	vst v2  }
0x30: {  	[tilespmem:s2+$0x0] =	vst v2  }
0x31: {  	s9 =	simm.s32 $0x0;
	[tilespmem:s2+$0xFFFFFFF0] =	vst v2  }
.LBB2_2:
0x32: {  	s9 =	sadd.s32 $0x6, s9  }
0x33: {  	[tilespmem:s2+$0xFFFFFFE0] =	vst v2;
	s2 =	sadd.s32 $0x60, s2;
	p2 =	slt.u32 s9, $0x6C0  }
.Ltmp2:
0x34: {  	[tilespmem:s2+$0xFFFFFFD0] =	vst v2;
	(pc) =	sbr.rel @p2 .LBB2_2-.Ltmp2, $4  }
0x35: {  	[tilespmem:s2+$0x20] =	vst v2  }
0x36: {  	[tilespmem:s2+$0x10] =	vst v2  }
0x37: {  	[tilespmem:s2+$0x0] =	vst v2  }
0x38: {  	[tilespmem:s2+$0xFFFFFFF0] =	vst v2  }
0x39: {  	[tilespmem:s2+$0xFFFFFFE0] =	vst v2;
	s2 =	simm.s32 $0x0  }
.LBB2_4:
0x3a: {  	p2 =	sne.s32 s2, $0x40  }
.Ltmp3:
0x3b: {  	_ = 	snop;
	(pc) =	sbr.rel @p2 .LBB2_4-.Ltmp3, $3  }
0x3c: {  	_ =	sdelay $0x1  }
0x3d: {  	s9 =	sshra.s32 s2, $0x2  }
0x3e: {  	s2 =	sadd.s32 $0x40, s2;
	[tilespmem:s9+$0x8060] =	vst v2;
	s9 =	simm.s32 $0xFFFFFFFC  }
0x3f: {  	s2 =	sadd.s32 $0x4, s9  }
0x40: {  	s9 =	sor.u32 $0x3, s2  }
0x41: {  	s11 =	sor.u32 $0x1, s2;
	s14 =	smul.u32 $0x843, s2;
	s10 =	sand.u32 $0xFFFF, s9  }
0x42: {  	s12 =	sor.u32 $0x2, s2;
	s13 =	sand.u32 $0xFFFF, s11;
	s10 =	smul.u32 $0x843, s10  }
0x43: {  	s19 =	sand.u32 $0xFFFF, s12;
	s13 =	smul.u32 $0x843, s13  }
0x44: {  	s14 =	sshrl.u32 s14, $0x10;
	s19 =	smul.u32 $0x843, s19  }
0x45: {  	s21 =	ssub.s32 s2, s14;
	s10 =	sshrl.u32 s10, $0x10  }
0x46: {  	s13 =	sshrl.u32 s13, $0x10;
	s19 =	sshrl.u32 s19, $0x10;
	s21 =	sand.u32 $0xFFFE, s21  }
0x47: {  	s20 =	ssub.s32 s9, s10;
	s22 =	ssub.s32 s11, s13;
	s18 =	ssub.s32 s12, s19  }
0x48: {  	s21 =	sshrl.u32 s21, $0x1;
	s20 =	sand.u32 $0xFFFE, s20;
	s16 =	sand.u32 $0xFFFE, s22  }
0x49: {  	s18 =	sand.u32 $0xFFFE, s18;
	s14 =	sadd.s32 s14, s21;
	s20 =	sshrl.u32 s20, $0x1  }
0x4a: {  	s18 =	sshrl.u32 s18, $0x1;
	s1 =	sand.u32 $0xFFF0, s14;
	s10 =	sadd.s32 s10, s20  }
0x4b: {  	s20 =	sshrl.u32 s16, $0x1;
	s18 =	sadd.s32 s19, s18;
	s17 =	sshrl.u32 s10, $0x4  }
0x4c: {  	s13 =	sadd.s32 s13, s20;
	s15 =	sshll.u32 s10, $0x5;
	s10 =	sshll.u32 s10, $0x3  }
0x4d: {  	s16 =	sshrl.u32 s18, $0x4;
	s20 =	sshrl.u32 s1, $0x4;
	s22 =	smul.u32 $0x1F, s17  }
0x4e: {  	s5 =	sshrl.u32 s13, $0x4;
	s21 =	sand.u32 $0xF000, s15;
	s10 =	sand.u32 $0x380, s10  }
0x4f: {  	s17 =	sshll.u32 s13, $0x5;
	s1 =	smul.u32 $0x1F, s16;
	s15 =	sshll.u32 s18, $0x5  }
0x50: {  	s20 =	smul.u32 $0x1F, s20;
	s13 =	sshll.u32 s13, $0x3;
	s18 =	sshll.u32 s18, $0x3  }
0x51: {  	s19 =	smul.u32 $0x1F, s5;
	s5 =	sshll.u32 s14, $0x5;
	s9 =	ssub.s32 s9, s22  }
0x52: {  	s14 =	sshll.u32 s14, $0x3;
	s16 =	ssub.s32 s2, s20;
	s22 =	sshll.u32 s9, $0x7  }
0x53: {  	s5 =	sand.u32 $0xF000, s5;
	s11 =	ssub.s32 s11, s19;
	s22 =	sand.u32 $0xC00, s22  }
0x54: {  	s9 =	sshll.u32 s9, $0x4;
	s19 =	sshll.u32 s11, $0x7;
	s21 =	sor.u32 s22, s21  }
0x55: {  	s9 =	sand.u32 $0x70, s9;
	s19 =	sand.u32 $0xC00, s19;
	s10 =	sor.u32 s10, s21  }
0x56: {  	s22 =	sand.u32 $0xF000, s15;
	s15 =	sand.u32 $0x380, s13;
	s21 =	sor.u32 s9, s10  }
0x57: {  	s9 =	sand.u32 $0xF000, s17;
	s10 =	ssub.s32 s12, s1;
	s1 =	sshll.u32 s16, $0x7  }
0x58: {  	s17 =	sshll.u32 s10, $0x7;
	s19 =	sor.u32 s19, s9;
	s9 =	sand.u32 $0xC00, s1  }
0x59: {  	s10 =	sshll.u32 s10, $0x4;
	s20 =	sand.u32 $0xC00, s17;
	s5 =	sor.u32 s9, s5  }
0x5a: {  	s17 =	sshll.u32 s11, $0x4;
	s9 =	sshll.u32 s16, $0x4;
	s16 =	sand.u32 $0x380, s14  }
0x5b: {  	s11 =	sor.u32 s15, s19;
	s20 =	sor.u32 s20, s22;
	s22 =	sand.u32 $0x380, s18  }
0x5c: {  	[tilespmem:s21+$0x10D80] =	vst v3;
	s13 =	sor.u32 s16, s5;
	s12 =	sand.u32 $0x70, s17;
	s14 =	sor.u32 s22, s20  }
.LBB2_6:
0x5d: {  	s2 =	sadd.s32 $0x4, s2;
	s5 =	sand.u32 $0x70, s9;
	s17 =	sand.u32 $0x70, s10  }
0x5e: {  	s11 =	sor.u32 s12, s11;
	s10 =	sor.u32 $0x1, s2;
	s9 =	sor.u32 $0x2, s2  }
0x5f: {  	s18 =	sor.u32 $0x3, s2;
	s12 =	sor.u32 s17, s14;
	s14 =	smul.u32 $0x843, s2  }
0x60: {  	s19 =	sand.u32 $0xFFFF, s10;
	s20 =	sand.u32 $0xFFFF, s9;
	s21 =	sand.u32 $0xFFFF, s18  }
0x61: {  	s21 =	smul.u32 $0x843, s21  }
0x62: {  	p2 =	slt.u32 s2, $0x6C4;
	s5 =	sor.u32 s5, s13;
	[tilespmem:s11+$0x10D80] =	vst v3;
	s11 =	smul.u32 $0x843, s19  }
0x63: {  	s13 =	sshrl.u32 s21, $0x10;
	[tilespmem:s12+$0x10D80] =	vst v3;
	s12 =	sshrl.u32 s14, $0x10  }
0x64: {  	s14 =	smul.u32 $0x843, s20;
	s17 =	ssub.s32 s18, s13;
	[tilespmem:s5+$0x10D80] =	vst v3;
	s11 =	sshrl.u32 s11, $0x10  }
0x65: {  	s5 =	ssub.s32 s2, s12;
	s17 =	sand.u32 $0xFFFE, s17;
	s19 =	ssub.s32 s10, s11  }
0x66: {  	s14 =	sshrl.u32 s14, $0x10;
	s5 =	sand.u32 $0xFFFE, s5;
	s17 =	sshrl.u32 s17, $0x1  }
0x67: {  	s20 =	ssub.s32 s9, s14;
	s5 =	sshrl.u32 s5, $0x1;
	s13 =	sadd.s32 s13, s17  }
0x68: {  	s17 =	sand.u32 $0xFFFE, s19;
	s19 =	sand.u32 $0xFFFE, s20;
	s20 =	sshrl.u32 s13, $0x4  }
0x69: {  	s5 =	sadd.s32 s12, s5;
	s17 =	sshrl.u32 s17, $0x1;
	s20 =	smul.u32 $0x1F, s20  }
0x6a: {  	s12 =	sshrl.u32 s19, $0x1;
	s19 =	sshll.u32 s13, $0x5;
	s11 =	sadd.s32 s11, s17  }
0x6b: {  	s17 =	sand.u32 $0xFFF0, s5;
	s12 =	sadd.s32 s14, s12;
	s14 =	ssub.s32 s18, s20  }
0x6c: {  	s13 =	sshll.u32 s13, $0x3;
	s18 =	sshrl.u32 s11, $0x4;
	s20 =	sshll.u32 s14, $0x7  }
0x6d: {  	s19 =	sand.u32 $0xF000, s19;
	s13 =	sand.u32 $0x380, s13;
	s20 =	sand.u32 $0xC00, s20  }
0x6e: {  	s14 =	sshll.u32 s14, $0x4;
	s18 =	smul.u32 $0x1F, s18;
	s19 =	sor.u32 s20, s19  }
0x6f: {  	s14 =	sand.u32 $0x70, s14;
	s20 =	sshrl.u32 s12, $0x4;
	s13 =	sor.u32 s13, s19  }
0x70: {  	s17 =	sshrl.u32 s17, $0x4;
	s10 =	ssub.s32 s10, s18;
	s13 =	sor.u32 s14, s13  }
0x71: {  	s19 =	smul.u32 $0x1F, s20;
	s20 =	sshll.u32 s12, $0x5;
	s14 =	sshll.u32 s11, $0x5;
	[tilespmem:s13+$0x10D80] =	vst v3  }
0x72: {  	s18 =	sshll.u32 s10, $0x7;
	s13 =	smul.u32 $0x1F, s17;
	s17 =	sshll.u32 s5, $0x5  }
0x73: {  	s12 =	sshll.u32 s12, $0x3;
	s14 =	sand.u32 $0xF000, s14;
	s19 =	ssub.s32 s9, s19  }
0x74: {  	s9 =	ssub.s32 s2, s13;
	s13 =	sand.u32 $0xC00, s18;
	s18 =	sshll.u32 s19, $0x7  }
0x75: {  	s20 =	sand.u32 $0xF000, s20;
	s21 =	sshll.u32 s9, $0x7;
	s18 =	sand.u32 $0xC00, s18  }
0x76: {  	s11 =	sshll.u32 s11, $0x3;
	s5 =	sshll.u32 s5, $0x3;
	s21 =	sand.u32 $0xC00, s21  }
.Ltmp4:
0x77: {  	s17 =	sand.u32 $0xF000, s17;
	s13 =	sor.u32 s13, s14;
	(pc) =	sbr.rel @p2 .LBB2_6-.Ltmp4, $4  }
0x78: {  	s18 =	sor.u32 s18, s20;
	s14 =	sor.u32 s21, s17;
	s17 =	sshll.u32 s10, $0x4  }
0x79: {  	s11 =	sand.u32 $0x380, s11;
	s9 =	sshll.u32 s9, $0x4;
	s10 =	sshll.u32 s19, $0x4  }
0x7a: {  	s5 =	sand.u32 $0x380, s5;
	s11 =	sor.u32 s11, s13;
	s19 =	sand.u32 $0x380, s12  }
0x7b: {  	s13 =	sor.u32 s5, s14;
	s12 =	sand.u32 $0x70, s17;
	s14 =	sor.u32 s19, s18  }
0x7c: {  	s2 =	simm.s32 $0x0;
	s9 =	sand.u32 $0x70, s9;
	s10 =	sand.u32 $0x70, s10  }
0x7d: {  	s12 =	sor.u32 s12, s11;
	s5 =	sor.u32 $0x3, s2;
	s18 =	sor.u32 $0x1, s2  }
0x7e: {  	s1 =	smul.u32 $0x843, s2;
	s9 =	sor.u32 s9, s13;
	s17 =	sand.u32 $0xFFFF, s5  }
0x7f: {  	s13 =	sor.u32 $0x2, s2;
	s22 =	sand.u32 $0xFFFF, s18;
	s17 =	smul.u32 $0x843, s17  }
0x80: {  	s11 =	sor.u32 s10, s14;
	s19 =	sand.u32 $0xFFFF, s13;
	s10 =	smul.u32 $0x843, s22  }
0x81: {  	s14 =	sshrl.u32 s1, $0x10;
	s19 =	smul.u32 $0x843, s19  }
0x82: {  	s21 =	ssub.s32 $0x0, s14;
	s17 =	sshrl.u32 s17, $0x10;
	s10 =	sshrl.u32 s10, $0x10  }
0x83: {  	s19 =	sshrl.u32 s19, $0x10;
	s21 =	sand.u32 $0xFFFE, s21;
	s20 =	ssub.s32 s5, s17  }
0x84: {  	s22 =	ssub.s32 s18, s10;
	s1 =	ssub.s32 s13, s19;
	s21 =	sshrl.u32 s21, $0x1  }
0x85: {  	s20 =	sand.u32 $0xFFFE, s20;
	s15 =	sand.u32 $0xFFFE, s22;
	s1 =	sand.u32 $0xFFFE, s1  }
0x86: {  	s14 =	sadd.s32 s14, s21;
	s20 =	sshrl.u32 s20, $0x1;
	s1 =	sshrl.u32 s1, $0x1  }
0x87: {  	s17 =	sadd.s32 s17, s20;
	s20 =	sshrl.u32 s15, $0x1;
	s1 =	sadd.s32 s19, s1  }
0x88: {  	s16 =	sshrl.u32 s17, $0x4;
	s20 =	sadd.s32 s10, s20;
	s10 =	sand.u32 $0xFFF0, s14  }
0x89: {  	s21 =	sshll.u32 s17, $0x5;
	s17 =	sshll.u32 s17, $0x3;
	s22 =	smul.u32 $0x1F, s16  }
0x8a: {  	s15 =	sshrl.u32 s20, $0x4;
	s19 =	sand.u32 $0xF000, s21;
	s17 =	sand.u32 $0x380, s17  }
0x8b: {  	s10 =	sshrl.u32 s10, $0x4;
	s15 =	smul.u32 $0x1F, s15;
	s5 =	ssub.s32 s5, s22  }
0x8c: {  	s16 =	sshrl.u32 s1, $0x4;
	s10 =	smul.u32 $0x1F, s10;
	s22 =	sshll.u32 s5, $0x7  }
0x8d: {  	s5 =	sshll.u32 s5, $0x4;
	s18 =	ssub.s32 s18, s15;
	s22 =	sand.u32 $0xC00, s22  }
0x8e: {  	s5 =	sand.u32 $0x70, s5;
	s15 =	sshll.u32 s18, $0x7;
	s18 =	sshll.u32 s18, $0x4  }
0x8f: {  	s19 =	sor.u32 s22, s19;
	s22 =	sshll.u32 s14, $0x5;
	s14 =	sshll.u32 s14, $0x3  }
0x90: {  	s17 =	sor.u32 s17, s19;
	s19 =	sshll.u32 s1, $0x5;
	s22 =	sand.u32 $0xF000, s22  }
0x91: {  	s1 =	sshll.u32 s1, $0x3;
	s14 =	sand.u32 $0x380, s14;
	s5 =	sor.u32 s5, s17  }
0x92: {  	s17 =	smul.u32 $0x1F, s16;
	s16 =	sshll.u32 s20, $0x5;
	s19 =	sand.u32 $0xF000, s19  }
0x93: {  	s20 =	sshll.u32 s20, $0x3;
	s21 =	sand.u32 $0xF000, s16;
	s16 =	ssub.s32 $0x0, s10  }
0x94: {  	s1 =	sand.u32 $0x380, s1;
	s10 =	sand.u32 $0xC00, s15;
	s15 =	sshll.u32 s16, $0x7  }
0x95: {  	s13 =	ssub.s32 s13, s17;
	s17 =	sor.u32 s10, s21;
	s15 =	sand.u32 $0xC00, s15  }
0x96: {  	s16 =	sshll.u32 s16, $0x4;
	s10 =	sshll.u32 s13, $0x7;
	s15 =	sor.u32 s15, s22  }
0x97: {  	[tilespmem:s12+$0x10D80] =	vst v3;
	s10 =	sand.u32 $0xC00, s10;
	s22 =	sand.u32 $0x380, s20;
	s20 =	sshll.u32 s13, $0x4  }
0x98: {  	[tilespmem:s11+$0x10D80] =	vst v3;
	s13 =	sand.u32 $0x70, s16;
	s19 =	sor.u32 s10, s19;
	s10 =	simm.s32 $0x4B0  }
0x99: {  	[tilespmem:s9+$0x10D80] =	vst v3;
	s21 =	sor.u32 s22, s17;
	s9 =	sor.u32 s14, s15;
	s22 =	sand.u32 $0x70, s18  }
0x9a: {  	[tilespmem:s5+$0x17D80] =	vst v3;
	s12 =	sor.u32 s1, s19;
	s14 =	sor.u32 s22, s21;
	s19 =	sand.u32 $0x70, s20  }
.LBB2_8:
0x9b: {  	s2 =	sadd.s32 $0x4, s2  }
0x9c: {  	s1 =	sor.u32 s13, s9;
	[tilespmem:s14+$0x17D80] =	vst v3;
	s5 =	sor.u32 s19, s12;
	s12 =	sor.u32 $0x1, s2  }
0x9d: {  	s9 =	sor.u32 $0x2, s2;
	s13 =	sor.u32 $0x3, s2;
	[tilespmem:s5+$0x17D80] =	vst v3;
	s15 =	smul.u32 $0x843, s2  }
0x9e: {  	s5 =	sand.u32 $0xFFFF, s12;
	s14 =	sand.u32 $0xFFFF, s9;
	s11 =	sand.u32 $0xFFFF, s13;
	[tilespmem:s1+$0x17D80] =	vst v3  }
0x9f: {  	p2 =	slt.u32 s2, $0x6C4;
	s1 =	smul.u32 $0x843, s11  }
0xa0: {  	s5 =	smul.u32 $0x843, s5;
	s11 =	simm.s32 $0x0  }
0xa1: {  	s15 =	sshrl.u32 s15, $0x10;
	s14 =	smul.u32 $0x843, s14;
	s1 =	sshrl.u32 s1, $0x10  }
0xa2: {  	s17 =	ssub.s32 s2, s15;
	s16 =	ssub.s32 s13, s1  }
0xa3: {  	s5 =	sshrl.u32 s5, $0x10;
	s14 =	sshrl.u32 s14, $0x10;
	s16 =	sand.u32 $0xFFFE, s16  }
0xa4: {  	s17 =	sand.u32 $0xFFFE, s17;
	s18 =	ssub.s32 s12, s5;
	s16 =	sshrl.u32 s16, $0x1  }
0xa5: {  	s19 =	ssub.s32 s9, s14;
	s17 =	sshrl.u32 s17, $0x1;
	s1 =	sadd.s32 s1, s16  }
0xa6: {  	s16 =	sand.u32 $0xFFFE, s18;
	s18 =	sand.u32 $0xFFFE, s19;
	s19 =	sshrl.u32 s1, $0x4  }
0xa7: {  	s15 =	sadd.s32 s15, s17;
	s16 =	sshrl.u32 s16, $0x1;
	s19 =	smul.u32 $0x1F, s19  }
0xa8: {  	s17 =	sand.u32 $0xFFF0, s15;
	s5 =	sadd.s32 s5, s16;
	s16 =	sshrl.u32 s18, $0x1  }
0xa9: {  	s18 =	sshll.u32 s1, $0x5;
	s14 =	sadd.s32 s14, s16;
	s13 =	ssub.s32 s13, s19  }
0xaa: {  	s1 =	sshll.u32 s1, $0x3;
	s16 =	sshrl.u32 s5, $0x4;
	s19 =	sshll.u32 s13, $0x7  }
0xab: {  	s18 =	sand.u32 $0xF000, s18;
	s1 =	sand.u32 $0x380, s1;
	s19 =	sand.u32 $0xC00, s19  }
0xac: {  	s16 =	smul.u32 $0x1F, s16;
	s13 =	sshll.u32 s13, $0x4;
	s18 =	sor.u32 s19, s18  }
0xad: {  	s13 =	sand.u32 $0x70, s13;
	s19 =	sshrl.u32 s14, $0x4;
	s1 =	sor.u32 s1, s18  }
0xae: {  	s17 =	sshrl.u32 s17, $0x4;
	s12 =	ssub.s32 s12, s16;
	s1 =	sor.u32 s13, s1  }
0xaf: {  	s18 =	smul.u32 $0x1F, s19;
	s19 =	sshll.u32 s14, $0x5;
	s13 =	sshll.u32 s5, $0x5;
	[tilespmem:s1+$0x17D80] =	vst v3  }
0xb0: {  	s16 =	sshll.u32 s12, $0x7;
	s1 =	smul.u32 $0x1F, s17;
	s17 =	sshll.u32 s15, $0x5  }
0xb1: {  	s12 =	sshll.u32 s12, $0x4;
	s13 =	sand.u32 $0xF000, s13;
	s9 =	ssub.s32 s9, s18  }
0xb2: {  	s16 =	sand.u32 $0xC00, s16;
	s18 =	sshll.u32 s9, $0x7;
	s1 =	ssub.s32 s2, s1  }
0xb3: {  	s19 =	sand.u32 $0xF000, s19;
	s18 =	sand.u32 $0xC00, s18;
	s20 =	sshll.u32 s1, $0x7  }
0xb4: {  	s14 =	sshll.u32 s14, $0x3;
	s5 =	sshll.u32 s5, $0x3;
	s20 =	sand.u32 $0xC00, s20  }
0xb5: {  	s15 =	sshll.u32 s15, $0x3;
	s17 =	sand.u32 $0xF000, s17;
	s13 =	sor.u32 s16, s13  }
.Ltmp5:
0xb6: {  	s16 =	sor.u32 s20, s17;
	s17 =	sor.u32 s18, s19;
	(pc) =	sbr.rel @p2 .LBB2_8-.Ltmp5, $4  }
0xb7: {  	s5 =	sand.u32 $0x380, s5;
	s1 =	sshll.u32 s1, $0x4;
	s18 =	sshll.u32 s9, $0x4  }
0xb8: {  	s5 =	sor.u32 s5, s13;
	s13 =	sand.u32 $0x380, s14;
	s9 =	sand.u32 $0x380, s15  }
0xb9: {  	s14 =	sand.u32 $0x70, s12;
	s9 =	sor.u32 s9, s16;
	s12 =	sor.u32 s13, s17  }
0xba: {  	s14 =	sor.u32 s14, s5;
	s13 =	sand.u32 $0x70, s1;
	s19 =	sand.u32 $0x70, s18  }
0xbb: {  	[tilespmem:s14+$0x17D80] =	vst v3;
	s1 =	sor.u32 s19, s12  }
0xbc: {  	s2 =	sor.u32 s13, s9;
	[tilespmem:s1+$0x17D80] =	vst v3  }
0xbd: {  	s16 =	rddreg [dreg:$0x1];
	[tilespmem:s2+$0x17D80] =	vst v3  }
0xbe: {  	s17 =	rddreg [dreg:$0x3]  }
0xbf: {  	s14 =	simm.s32 $0x500;
	s18 =	rddreg [dreg:$0xa]  }
0xc0: {  	s15 =	simm.s32 $0xF00;
	s2 =	simm.s32 $0x0;
	s22 =	rddreg [dreg:$0xb]  }
.LBB2_10:
0xc1: {  	_ =	swait.ge [sflag:s23], $0x4B0  }
0xc2: {  	[sflag:s23] =	ssyncset.done $0x0  }
0xc3: {  	[sflag:s23] =	ssyncadd.s32 $0xFFFFFB50  }
0xc4: {  	_ =	swait.ge [sflag:s23], $0x4B0  }
0xc5: {  	s9 =	smul.u32 $0x960, s2;
	[sflag:s23] =	ssyncset.done $0x0  }
0xc6: {  	s12 =	smov.u32 s11;
	s13 =	simm.s32 $0x0;
	[sflag:s23] =	ssyncadd.s32 $0xFFFFFB50  }
.LBB2_11:
0xc7: {  	s1 =	sshra.s32 s13, $0x2  }
0xc8: {  	v6 =	vld [tilespmem:s1+$0x0]  }
0xc9: {  	v7 =	vld [tilespmem:s1+$0xA00];
	_ =	sdelay $0x4  }
0xca: {  	vm0 =	vlt.u32 v6, $0x1F0;
	vm1 =	vge.s32 v7, v0;
	v8 =	vsub.s32 v7, v0  }
0xcb: {  	vm13 =	vlt.s32 v7, v1;
	vm0 =	vmand vm0, vm1;
	v7 =	vmul.u32 $0x1F0, v8  }
0xcc: {  	vm0 =	vmand vm13, vm0  }
0xcd: {  	v6 =	vadd.s32 v6, v7;
	_ =	sdelay $0x3  }
0xce: {  	v7 =	vor.u32 s12, v4  }
0xcf: {  	[tilespmem:v6+s24+$0x0] =	vst.idx.msk vm0, v7  }
0xd0: {  	v62 =	vld.idx.msk [tilespmem:v6+s24+$0x0], vm0;
	_ =	sdelay $0x4  }
0xd1: {  	vm14 =	vgt.s32 v7, v62  }
0xd2: {  	vm1 =	vmand vm0, vm14;
	_ =	sdelay $0x5  }
0xd3: {  	[tilespmem:v6+s24+$0x0] =	vst.idx.msk vm1, v7  }
0xd4: {  	v63 =	vld.idx.msk [tilespmem:v6+s24+$0x0], vm0;
	_ =	sdelay $0x4  }
0xd5: {  	vm15 =	vgt.s32 v7, v63  }
0xd6: {  	vm0 =	vmand vm0, vm15  }
0xd7: {  	p2 =	sne.s32 s13, $0x1280  }
.Ltmp6:
0xd8: {  	_ = 	snop;
	(pc) =	sbr.rel @p2 .LBB2_11-.Ltmp6, $2  }
0xd9: {  	_ =	sdelay $0x2  }
0xda: {  	s13 =	sadd.s32 $0x40, s13;
	s12 =	sadd.s32 $0x10, s12;
	[tilespmem:v6+s24+$0x0] =	vst.idx.msk vm0, v7  }
0xdb: {  	p2 =	seq.s32 s2, $0x4  }
0xdc: {  	s1 =	sadd.s32 @!p2 $0x960, s9  }
0xdd: {  	s5 =	sadd.s32 @!p2 s7, s1  }
0xde: {  	s1 =	sadd.s32 @!p2 s8, s1;
	s5 =	sshrl.u32 @!p2 s5, $0x3  }
0xdf: {  	s12 =	simm.s32 @!p2 $0x0;
	s1 =	sshrl.u32 @!p2 s1, $0x3;
	s5 =	sadd.s32 @!p2 s4, s5  }
0xe0: {  	[tilespmem:s12], [sflag:$0x1] =	stream.linear.gather @!p2 [hbm4b:s5+s12], $0x4B0, $0x38;
	[tilespmem:$0x1ED80] =	vst v63  }
0xe1: {  	s1 =	sadd.s32 @!p2 s4, s1;
	s5 =	simm.s32 @!p2 $0xA00  }
0xe2: {  	[tilespmem:s5], [sflag:$0x1] =	stream.linear.gather @!p2 [hbm4b:s1+s12], $0x4B0, $0x38;
	[tilespmem:$0x1ED80] =	vst v63  }
0xe3: {  	_ =	swait.ge [sflag:s25], $0x4B0  }
0xe4: {  	[sflag:s25] =	ssyncset.done $0x0  }
0xe5: {  	[sflag:s25] =	ssyncadd.s32 $0xFFFFFB50  }
0xe6: {  	_ =	swait.ge [sflag:s25], $0x4B0  }
0xe7: {  	[sflag:s25] =	ssyncset.done $0x0  }
0xe8: {  	s13 =	smov.u32 s10;
	s12 =	simm.s32 $0x0;
	[sflag:s25] =	ssyncadd.s32 $0xFFFFFB50  }
.LBB2_13:
0xe9: {  	s1 =	sshra.s32 s12, $0x2  }
0xea: {  	v6 =	vld [tilespmem:s1+$0x500]  }
0xeb: {  	v7 =	vld [tilespmem:s1+$0xF00];
	_ =	sdelay $0x4  }
0xec: {  	vm0 =	vlt.u32 v6, $0x1F0;
	vm1 =	vge.s32 v7, v0;
	v8 =	vsub.s32 v7, v0  }
0xed: {  	vm13 =	vlt.s32 v7, v1;
	vm0 =	vmand vm0, vm1;
	v7 =	vmul.u32 $0x1F0, v8  }
0xee: {  	vm0 =	vmand vm13, vm0  }
0xef: {  	v6 =	vadd.s32 v6, v7;
	_ =	sdelay $0x3  }
0xf0: {  	v7 =	vor.u32 s13, v4  }
0xf1: {  	[tilespmem:v6+s24+$0x0] =	vst.idx.msk vm0, v7  }
0xf2: {  	v62 =	vld.idx.msk [tilespmem:v6+s24+$0x0], vm0;
	_ =	sdelay $0x4  }
0xf3: {  	vm14 =	vgt.s32 v7, v62  }
0xf4: {  	vm1 =	vmand vm0, vm14;
	_ =	sdelay $0x5  }
0xf5: {  	[tilespmem:v6+s24+$0x0] =	vst.idx.msk vm1, v7  }
0xf6: {  	v63 =	vld.idx.msk [tilespmem:v6+s24+$0x0], vm0;
	_ =	sdelay $0x4  }
0xf7: {  	vm15 =	vgt.s32 v7, v63  }
0xf8: {  	vm0 =	vmand vm0, vm15  }
0xf9: {  	p3 =	sne.s32 s12, $0x1280  }
.Ltmp7:
0xfa: {  	_ = 	snop;
	(pc) =	sbr.rel @p3 .LBB2_13-.Ltmp7, $2  }
0xfb: {  	_ =	sdelay $0x2  }
0xfc: {  	s12 =	sadd.s32 $0x40, s12;
	s13 =	sadd.s32 $0x10, s13;
	[tilespmem:v6+s24+$0x0] =	vst.idx.msk vm0, v7  }
.Ltmp8:
0xfd: {  	(pc) =	sbr.rel @p2 .LBB2_15-.Ltmp8, $1  }
0xfe: {  	_ =	sdelay $0x3  }
0xff: {  	s1 =	sadd.s32 $0xE10, s9  }
0x100: {  	s5 =	sadd.s32 s7, s1  }
.Ltmp9:
0x101: {  	s1 =	sadd.s32 s8, s1;
	s5 =	sshrl.u32 s5, $0x3;
	(pc) =	sbr.rel .LBB2_10-.Ltmp9, $4  }
0x102: {  	s2 =	sadd.s32 $0x1, s2;
	s1 =	sshrl.u32 s1, $0x3;
	s5 =	sadd.s32 s4, s5  }
0x103: {  	[tilespmem:s14], [sflag:$0x2] =	stream.linear.gather [hbm4b:s5+s3], $0x4B0, $0x38;
	[tilespmem:$0x1ED80] =	vst v63  }
0x104: {  	s11 =	sadd.s32 $0x960, s11;
	s10 =	sadd.s32 $0x960, s10;
	s1 =	sadd.s32 s4, s1  }
0x105: {  	[tilespmem:s15], [sflag:$0x2] =	stream.linear.gather [hbm4b:s1+s3], $0x4B0, $0x38;
	[tilespmem:$0x1ED80] =	vst v63  }
.LBB2_15:
0x106: {  	s10 =	simm.s32 $0x1410;
	s9 =	simm.s32 $0x10  }
0x107: {  	s1 =	simm.s32 $0x0;
	v11 =	vld [tilespmem:s10+$0xFFFFFFF0];
	v6 =	vmov s9  }
0x108: {  	v8 =	vmov s1;
	v6 =	vshrl.u32 v6, $0x4  }
0x109: {  	v7 =	vld [tilespmem:s10+$0x0];
	v9 =	vshrl.u32 v8, $0x4;
	v6 =	vmulhi.u32 $0x10842109, v6  }
0x10a: {  	v9 =	vmulhi.u32 $0x10842109, v9  }
0x10b: {  	v15 =	vor.u32 s1, v4;
	vm2 =	veq.s32 v8, v4  }
0x10c: {  	v10 =	vshrl.u32 v6, $0x1;
	v9 =	vshrl.u32 v9, $0x1;
	vm0 =	vne.s32 v11, $0x2EE0  }
0x10d: {  	v10 =	vmul.u32 $0x1F0, v10;
	v13 =	vmul.u32 $0x1F0, v9;
	v12 =	vsel vm0, $0x1, v5  }
0x10e: {  	v6 =	vshll.u32 v6, $0x16;
	vm1 =	vne.s32 v7, $0x2EE0;
	(xrf0) =	vadd.scan.msk.s32 $0xffff, v12;
	v12 =	vor.u32 s9, v4  }
0x10f: {  	v14 =	vsel vm1, $0x1, v5;
	v10 =	vsub.s32 v12, v10;
	v12 =	vsub.s32 v15, v13  }
0x110: {  	v6 =	vand.u32 $0xFF800000, v6;
	(xrf0) =	vadd.scan.msk.s32 $0xffff, v14;
	v10 =	vshll.u32 v10, $0xE;
	vm3 =	vne.s32 v12, $0x0  }
0x111: {  	v6 =	vor.u32 v6, v10;
	vm2 =	vmand vm2, vm3  }
0x112: {  	s12 =	simm.s32 $0x1430;
	s5 =	simm.s32 $0x30;
	v14 =	vor.u32 v6, v7;
	v7 =	vsel vm2, $0xFFFFFFFF, v5  }
0x113: {  	v8 =	vmov s5;
	v6 =	vld [tilespmem:s12+$0xFFFFFFF0]  }
0x114: {  	s13 =	simm.s32 $0x20;
	v8 =	vshrl.u32 v8, $0x4;
	v10 =	vld [tilespmem:s12+$0x0]  }
0x115: {  	v8 =	vmulhi.u32 $0x10842109, v8;
	v15 =	vadd.s32 v7, v9;
	v9 =	vmov s13;
	v7, _, _ =	vpop (xrf0)  }
0x116: {  	v13 =	vshrl.u32 v9, $0x4;
	(v2sf) =	vpush v7, $0xF;
	v7, _, _ =	vpop (xrf0)  }
0x117: {  	v16 =	vshrl.u32 v8, $0x1;
	(v2sf) =	vpush v7, $0xF;
	v7 =	vmulhi.u32 $0x10842109, v13  }
0x118: {  	v17 =	vshll.u32 v8, $0x16;
	vm2 =	vmmov vm1;
	vm1 =	vne.s32 v6, $0x2EE0  }
0x119: {  	vm3 =	vne.s32 v10, $0x2EE0;
	v18 =	vsel vm1, $0x1, v5;
	v7 =	vshrl.u32 v7, $0x1  }
0x11a: {  	s15 =	simm.s32 $0x40;
	v8 =	vmul.u32 $0x1F0, v16;
	v20 =	vsel vm3, $0x1, v5;
	(xrf0) =	vadd.scan.msk.s32 $0xffff, v18;
	v51 =	vmul.u32 $0x1F0, v7  }
0x11b: {  	v19 =	vor.u32 s13, v4;
	v53 =	vmov s15;
	v13 =	vor.u32 s5, v4;
	(xrf0) =	vadd.scan.msk.s32 $0xffff, v20  }
0x11c: {  	v52 =	vand.u32 $0xFF800000, v17;
	v13 =	vsub.s32 v13, v8;
	v8 =	vsub.s32 v19, v51  }
0x11d: {  	s14 =	simm.s32 $0x50;
	vm4 =	veq.s32 v9, v4;
	v13 =	vshll.u32 v13, $0xE;
	vm5 =	vne.s32 v8, $0x0  }
0x11e: {  	v60 =	vor.u32 s14, v4;
	v9 =	vor.u32 v52, v13;
	vm4 =	vmand vm4, vm5  }
0x11f: {  	s19 =	simm.s32 $0x1450;
	v22 =	vor.u32 s15, v4;
	v9 =	vor.u32 v9, v10;
	v10 =	vsel vm4, $0xFFFFFFFF, v5  }
0x120: {  	v55 =	vshrl.u32 v53, $0x4;
	v13 =	vmov s14;
	v54, _, _ =	vpop (xrf0);
	v10 =	vadd.s32 v10, v7;
	v7 =	vld [tilespmem:s19+$0xFFFFFFF0]  }
0x121: {  	v56 =	vld [tilespmem:s19+$0x0];
	v18 =	vmulhi.u32 $0x10842109, v55;
	v13 =	vshrl.u32 v13, $0x4;
	(v2sf) =	vpush v54, $0xF;
	v57, _, _ =	vpop (xrf0)  }
0x122: {  	vm0 =	vmmov vm0;
	v13 =	vmulhi.u32 $0x10842109, v13;
	(v2sf) =	vpush v57, $0xF  }
0x123: {  	vm6 =	veq.s32 v53, v4;
	vm0 =	vmmov vm0;
	v59 =	vshll.u32 v12, $0xE  }
0x124: {  	v18 =	vshrl.u32 v18, $0x1;
	v58 =	vshrl.u32 v13, $0x1;
	v21 =	vshll.u32 v13, $0x16  }
0x125: {  	vm4 =	vmmov vm2;
	v12 =	vmul.u32 $0x1F0, v58;
	vm2 =	vne.s32 v7, $0x2EE0  }
0x126: {  	v13 =	vmul.u32 $0x1F0, v18;
	vm5 =	vne.s32 v56, $0x2EE0;
	v61 =	vsel vm2, $0x1, v5  }
0x127: {  	vm3 =	vmmov vm3;
	v62 =	vsel vm5, $0x1, v5;
	v12 =	vsub.s32 v60, v12;
	(xrf0) =	vadd.scan.msk.s32 $0xffff, v61  }
0x128: {  	v21 =	vand.u32 $0xFF800000, v21;
	v13 =	vsub.s32 v22, v13;
	v12 =	vshll.u32 v12, $0xE;
	s20 =	spop (v2sf);
	(xrf0) =	vadd.scan.msk.s32 $0xffff, v62  }
0x129: {  	vm1 =	vmmov vm1;
	vm7 =	vne.s32 v13, $0x0;
	v12 =	vor.u32 v21, v12;
	s1 =	sadd.s32 $0x0, s20  }
0x12a: {  	v12 =	vor.u32 v12, v56;
	[tilespmem:s1+$0x8080] =	vst.msk vm4, v14;
	vm4 =	vmand vm6, vm7;
	v14 =	vshll.u32 v15, $0x17  }
0x12b: {  	s2 =	simm.s32 $0x0;
	s11 =	simm.s32 $0x1470;
	s21 =	spop (v2sf);
	v15 =	vsel vm4, $0xFFFFFFFF, v5;
	v63 =	vor.u32 v59, v14;
	vm4 =	vmmov vm3  }
0x12c: {  	s9 =	simm.s32 $0x4;
	s12 =	simm.s32 $0x70;
	s10 =	sadd.s32 s1, s21;
	vm3 =	vmmov vm5;
	v14 =	vadd.s32 v15, v18;
	v11 =	vor.u32 v63, v11  }
.LBB2_16:
0x12d: {  	s1 =	sadd.s32 $0xFFFFFFF0, s12;
	v15 =	vld [tilespmem:s11+$0xFFFFFFF0];
	v16 =	vmov s12;
	s9 =	sadd.s32 $0x2, s9;
	v17, _, _ =	vpop (xrf0);
	[tilespmem:s2+$0x8080] =	vst.msk vm0, v11;
	vm0 =	vmmov vm1;
	vm1 =	vmmov vm2;
	s2 =	smov.u32 s10  }
0x12e: {  	v11 =	vmov s1;
	v18 =	vld [tilespmem:s11+$0x0];
	v16 =	vshrl.u32 v16, $0x4;
	p2 =	slt.u32 s9, $0x6C6;
	(v2sf) =	vpush v17, $0xF;
	v17, _, _ =	vpop (xrf0)  }
0x12f: {  	v19 =	vshrl.u32 v11, $0x4;
	v16 =	vmulhi.u32 $0x10842109, v16;
	(v2sf) =	vpush v17, $0xF  }
0x130: {  	v17 =	vmulhi.u32 $0x10842109, v19;
	v19 =	vshll.u32 v8, $0xE;
	s5 =	spop (v2sf);
	v8 =	vmov v13  }
0x131: {  	v13 =	vor.u32 s12, v4;
	v20 =	vshrl.u32 v16, $0x1;
	v16 =	vshll.u32 v16, $0x16;
	s5 =	sadd.s32 s10, s5;
	s10 =	spop (v2sf)  }
0x132: {  	vm2 =	vne.s32 v15, $0x2EE0;
	v17 =	vshrl.u32 v17, $0x1;
	v20 =	vmul.u32 $0x1F0, v20;
	[tilespmem:s5+$0x8080] =	vst.msk vm4, v9;
	s10 =	sadd.s32 s5, s10;
	v9 =	vmovc v12  }
0x133: {  	v12 =	vmul.u32 $0x1F0, v17;
	v21 =	vsel vm2, $0x1, v5;
	vm5 =	vne.s32 v18, $0x2EE0  }
0x134: {  	v22 =	vor.u32 s1, v4;
	v20 =	vsub.s32 v13, v20;
	v23 =	vsel vm5, $0x1, v5;
	(xrf0) =	vadd.scan.msk.s32 $0xffff, v21  }
.Ltmp10:
0x135: {  	v13 =	vsub.s32 v22, v12;
	v12 =	vand.u32 $0xFF800000, v16;
	v16 =	vshll.u32 v20, $0xE;
	(xrf0) =	vadd.scan.msk.s32 $0xffff, v23;
	(pc) =	sbr.rel @p2 .LBB2_16-.Ltmp10, $4  }
0x136: {  	vm4 =	veq.s32 v11, v4;
	vm6 =	vne.s32 v13, $0x0;
	v11 =	vor.u32 v12, v16  }
0x137: {  	vm4 =	vmand vm4, vm6;
	v12 =	vor.u32 v11, v18;
	v11 =	vshll.u32 v10, $0x17;
	v10 =	vmovc v14  }
0x138: {  	v14 =	vsel vm4, $0xFFFFFFFF, v5;
	v11 =	vor.u32 v19, v11;
	vm4 =	vmmov vm3  }
0x139: {  	s11 =	sadd.s32 $0x20, s11;
	s12 =	sadd.s32 $0x20, s12;
	vm3 =	vmmov vm5;
	v14 =	vadd.s32 v14, v17;
	v11 =	vor.u32 v11, v6;
	v6 =	vmovc v7;
	v7 =	vmovc v15  }
0x13a: {  	v15, _, _ =	vpop (xrf0)  }
0x13b: {  	(v2sf) =	vpush v15, $0xF;
	v62, _, _ =	vpop (xrf0)  }
0x13c: {  	(v2sf) =	vpush v62, $0xF;
	_ =	sdelay $0xa  }
0x13d: {  	v8 =	vshll.u32 v8, $0xE;
	v10 =	vshll.u32 v10, $0x17  }
0x13e: {  	vm12 =	vmmov vm1;
	v8 =	vor.u32 v8, v10;
	s1 =	spop (v2sf)  }
0x13f: {  	[tilespmem:s2+$0x8080] =	vst.msk vm0, v11;
	v63 =	vshll.u32 v14, $0x17;
	v6 =	vor.u32 v8, v6;
	v8 =	vshll.u32 v13, $0xE;
	s1 =	sadd.s32 s10, s1;
	s5 =	spop (v2sf)  }
0x140: {  	vm13 =	vmmov vm2;
	[tilespmem:s10+$0x8080] =	vst.msk vm12, v6;
	v6 =	vor.u32 v8, v63;
	s5 =	sadd.s32 s1, s5;
	s9 =	spop (v2sf)  }
0x141: {  	vm15 =	vmmov vm13;
	v6 =	vor.u32 v6, v7;
	[tilespmem:s1+$0x8080] =	vst.msk vm4, v9;
	s9 =	sadd.s32 s5, s9;
	s11 =	spop (v2sf)  }
0x142: {  	vm14 =	vmmov vm3;
	[tilespmem:s5+$0x8080] =	vst.msk vm15, v6;
	s12 =	sadd.s32 s9, s11  }
0x143: {  	[tilespmem:s9+$0x8080] =	vst.msk vm14, v12;
	s11 =	sadd.s32 $0xF, s12  }
0x144: {  	s10 =	simm.s32 $0x0;
	s5 =	rddreg [dreg:$0x7];
	s15 =	sand.u32 $0xF, s11  }
0x145: {  	[tilespmem:s26], [sflag:$0x3] =	stream.linear.gather [hbm4b:s5+s10], $0x2EE0, $0x38;
	[tilespmem:$0x1ED80] =	vst v63  }
0x146: {  	s19 =	sshra.s32 s11, $0x1F;
	p3 =	slt.s32 s11, $0x1;
	p2 =	sne.s32 s15, $0x0  }
0x147: {  	s20 =	rddreg [dreg:$0x9];
	s1 =	sshrl.u32 s19, $0x1C;
	p2 =	por !p3, !p2  }
0x148: {  	[tilespmem:s28], [sflag:$0x4] =	stream.linear.gather [hbm4b:s20+s10], $0x2EE0, $0x38;
	[tilespmem:$0x1ED80] =	vst v63  }
0x149: {  	s2 =	simm.s32 $0x1;
	s1 =	sadd.s32 s1, s11;
	p2 =	por !p2, !p2  }
0x14a: {  	s1 =	sshra.s32 s1, $0x4;
	s2 =	simm.s32 @!p2 $0x0  }
0x14b: {  	s11 =	ssub.s32 s1, s2  }
0x14c: {  	s21 =	sshrl.u32 s11, $0x1E  }
.Ltmp11:
0x14d: {  	s1 =	sadd.s32 s21, s11;
	(pc) =	sbr.rel .LBB2_18-.Ltmp11, $4  }
0x14e: {  	s13 =	sand.u32 $0xFFFFFFFC, s1  }
0x14f: {  	s1 =	sshll.u32 s13, $0x6  }
0x150: {  	s2 =	ssub.s32 s11, s13;
	s19 =	sshll.u32 s13, $0x4;
	s1 =	sshra.s32 s1, $0x2  }
0x151: {  	v6 =	vmov s12;
	p2 =	slt.s32 s13, $0x1;
	p3 =	slt.s32 s2, $0x1;
	s14 =	sadd.s32 $0x8080, s1  }
.LBB2_33:
.Ltmp12:
0x152: {  	(pc) =	sbr.rel @p6 .LBB2_35-.Ltmp12, $4  }
0x153: {  	s1 =	sadd.s32 s2, s18  }
0x154: {  	s1 =	sshrl.u32 s1, $0x3  }
0x155: {  	s1 =	sadd.s32 s16, s1  }
0x156: {  	[hbm4b:s1+s3] =	stream.linear.scatter [tilespmem:s0], [sflag:$0x6], $0x7000, $0x38;
	[tilespmem:$0x1ED80] =	vst v63  }
.LBB2_34:
0x157: {  	s1 =	rddreg [dreg:$0xd]  }
0x158: {  	s1 =	sadd.s32 s12, s1  }
0x159: {  	s1 =	smul.u32 $0x600, s1;
	_ =	sdelay $0x1  }
0x15a: {  	s10 =	sadd.s32 $0x1, s10;
	s1 =	sadd.s32 s6, s1  }
0x15b: {  	[tilespmem:s28], [sflag:$0x4] =	stream.linear.gather [hbm4b:s1+s3], $0x2EE0, $0x38;
	[tilespmem:$0x1ED80] =	vst v63  }
.LBB2_18:
0x15c: {  	p5 =	seq.s32 s10, $0x0  }
0x15d: {  	_ =	swait.ge [sflag:s29], $0x2EE0;
	p6 =	seq.s32 @!p5 s17, $0x7  }
0x15e: {  	[sflag:s29] =	ssyncset.done $0x0;
	p4 =	por !p6, p5  }
0x15f: {  	[sflag:s29] =	ssyncadd.s32 $0xFFFFD120;
	s1 =	simm.s32 @!p4 $0x5  }
0x160: {  	_ =	swait.ge @!p4 [sflag:s1], $0x5000  }
.Ltmp13:
0x161: {  	p5 =	por p6, p5;
	[sflag:s1] =	ssyncset.done @!p4 $0x0;
	(pc) =	sbr.rel @p2 .LBB2_22-.Ltmp13, $4  }
0x162: {  	[sflag:s1] =	ssyncadd.s32 @!p4 $0xFFFFB000;
	s1 =	simm.s32 @!p5 $0x5  }
0x163: {  	_ =	swait.ge @!p5 [sflag:s1], $0x7000  }
0x164: {  	[sflag:s1] =	ssyncset.done @!p5 $0x0  }
0x165: {  	[sflag:s1] =	ssyncadd.s32 @!p5 $0xFFFF9000  }
0x166: {  	s9 =	simm.s32 $0x80A0  }
0x167: {  	v8 =	vld [tilespmem:s9+$0x10]  }
0x168: {  	v9 =	vld [tilespmem:s9+$0xFFFFFFE0]  }
0x169: {  	s2 =	simm.s32 $0x0;
	s1 =	simm.s32 $0x10;
	s5 =	simm.s32 $0x20;
	v10 =	vld [tilespmem:s9+$0xFFFFFFF0]  }
0x16a: {  	s12 =	simm.s32 $0x30;
	v7 =	vor.u32 s2, v4;
	v11 =	vor.u32 s1, v4;
	v12 =	vor.u32 s5, v4;
	v13 =	vld [tilespmem:s9+$0x0]  }
0x16b: {  	v14 =	vor.u32 s12, v4;
	vm1 =	vlt.s32 v11, v6;
	vm0 =	vlt.s32 v12, v6  }
0x16c: {  	vm3 =	vlt.s32 v14, v6;
	vm2 =	vlt.s32 v7, v6;
	v14 =	vand.u32 $0x3FFF, v8  }
0x16d: {  	v7 =	vshrl.u32 v9, $0xE;
	v15 =	vand.u32 $0x3FFF, v9;
	v16 =	vshrl.u32 v9, $0xB  }
0x16e: {  	v17 =	vand.u32 $0x3FFF, v10;
	v11 =	vshrl.u32 v8, $0xE;
	v12 =	vshrl.u32 v8, $0xB  }
0x16f: {  	v8 =	vshrl.u32 v8, $0x10;
	v19 =	vand.u32 $0x3FFF, v13;
	v22 =	vshrl.u32 v13, $0xB  }
0x170: {  	v25 =	vshrl.u32 v10, $0x10;
	v18 =	vand.u32 $0x3F000, v11;
	v12 =	vand.u32 $0xC00, v12  }
0x171: {  	v8 =	vand.u32 $0x380, v8;
	v20 =	vand.u32 $0x7F, v11;
	v18 =	vor.u32 v12, v18  }
0x172: {  	v11 =	vshrl.u32 v13, $0xE;
	v21 =	vand.u32 $0x3F000, v7;
	v8 =	vor.u32 v8, v18  }
0x173: {  	p6 =	sgt.s32 s13, $0x4;
	v16 =	vand.u32 $0xC00, v16;
	v22 =	vand.u32 $0xC00, v22;
	v20 =	vor.u32 v20, v8;
	v14 =	vld.idx.msk [tilespmem:v14+s26+$0x0], vm3  }
.Ltmp14:
0x174: {  	v12 =	vshrl.u32 v10, $0xE;
	v24 =	vand.u32 $0x3F000, v11;
	v18 =	vshrl.u32 v10, $0xB;
	(pc) =	sbr.rel @!p6 .LBB2_21-.Ltmp14, $4  }
0x175: {  	v16 =	vor.u32 v16, v21;
	v23 =	vand.u32 $0x3F000, v12;
	v18 =	vand.u32 $0xC00, v18;
	v8 =	vld.idx.msk [tilespmem:v15+s26+$0x0], vm2  }
0x176: {  	v15 =	vshrl.u32 v9, $0x10;
	v9 =	vld.idx.msk [tilespmem:v17+s26+$0x0], vm1;
	v17 =	vor.u32 v18, v23;
	v18 =	vshrl.u32 v13, $0x10  }
0x177: {  	v10 =	vld.idx.msk [tilespmem:v19+s26+$0x0], vm0;
	v19 =	vand.u32 $0x380, v25;
	v13 =	vand.u32 $0x380, v15;
	v15 =	vor.u32 v22, v24  }
0x178: {  	s12 =	simm.s32 $0x4;
	s9 =	simm.s32 $0x80E0;
	[tilespmem:v20+s30+$0x0] =	vst.idx.msk vm3, v14;
	v14 =	vor.u32 v13, v16;
	v13 =	vor.u32 v19, v17;
	v16 =	vand.u32 $0x380, v18  }
.LBB2_20:
0x179: {  	v7 =	vand.u32 $0x7F, v7;
	v12 =	vand.u32 $0x7F, v12;
	v15 =	vor.u32 v16, v15  }
0x17a: {  	v17 =	vld [tilespmem:s9+$0x10];
	s12 =	sadd.s32 $0x4, s12;
	vm5 =	vmmov vm1;
	vm4 =	vmmov vm0;
	vm6 =	vmmov vm2  }
0x17b: {  	s2 =	sadd.s32 $0x40, s2;
	v16 =	vld [tilespmem:s9+$0xFFFFFFE0];
	p6 =	slt.s32 s12, s13;
	v14 =	vor.u32 v7, v14;
	v12 =	vor.u32 v12, v13;
	v7 =	vand.u32 $0x7F, v11  }
0x17c: {  	v11 =	vor.u32 s2, v4;
	s1 =	sadd.s32 $0x10, s2;
	s5 =	sadd.s32 $0x20, s2;
	s15 =	sadd.s32 $0x30, s2;
	v13 =	vld [tilespmem:s9+$0xFFFFFFF0];
	v15 =	vor.u32 v7, v15  }
0x17d: {  	v7 =	vor.u32 s1, v4;
	v18 =	vor.u32 s5, v4;
	v20 =	vor.u32 s15, v4;
	v19 =	vld [tilespmem:s9+$0x0]  }
0x17e: {  	vm1 =	vlt.s32 v7, v6;
	vm0 =	vlt.s32 v18, v6;
	vm3 =	vlt.s32 v20, v6  }
0x17f: {  	vm2 =	vlt.s32 v11, v6;
	v11 =	vand.u32 $0x3FFF, v17  }
0x180: {  	v7 =	vshrl.u32 v16, $0xE;
	v18 =	vand.u32 $0x3FFF, v16;
	v20 =	vshrl.u32 v16, $0xB;
	[tilespmem:v14+s30+$0x0] =	vst.idx.msk vm6, v8  }
0x181: {  	v21 =	vshrl.u32 v17, $0xB;
	v8 =	vshrl.u32 v17, $0xE;
	v14 =	vand.u32 $0x3FFF, v13;
	[tilespmem:v12+s30+$0x0] =	vst.idx.msk vm5, v9  }
0x182: {  	v17 =	vshrl.u32 v17, $0x10;
	v9 =	vand.u32 $0x3F000, v8;
	v12 =	vand.u32 $0xC00, v21;
	[tilespmem:v15+s30+$0x0] =	vst.idx.msk vm4, v10  }
0x183: {  	v10 =	vand.u32 $0x3FFF, v19;
	v9 =	vor.u32 v12, v9;
	v15 =	vand.u32 $0x380, v17  }
0x184: {  	v21 =	vand.u32 $0x7F, v8;
	v12 =	vshrl.u32 v13, $0xE;
	v9 =	vor.u32 v15, v9;
	v17 =	vld.idx.msk [tilespmem:v11+s26+$0x0], vm3  }
0x185: {  	v15 =	vshrl.u32 v13, $0xB;
	v11 =	vshrl.u32 v19, $0xE;
	v8 =	vld.idx.msk [tilespmem:v18+s26+$0x0], vm2;
	v18 =	vor.u32 v21, v9  }
0x186: {  	v20 =	vand.u32 $0xC00, v20;
	v21 =	vand.u32 $0x3F000, v7;
	v9 =	vld.idx.msk [tilespmem:v14+s26+$0x0], vm1;
	v14 =	vshrl.u32 v19, $0xB  }
.Ltmp15:
0x187: {  	v22 =	vand.u32 $0x3F000, v12;
	v15 =	vand.u32 $0xC00, v15;
	v23 =	vand.u32 $0x3F000, v11;
	(pc) =	sbr.rel @p6 .LBB2_20-.Ltmp15, $4  }
0x188: {  	v16 =	vshrl.u32 v16, $0x10;
	v13 =	vshrl.u32 v13, $0x10;
	v14 =	vand.u32 $0xC00, v14;
	v10 =	vld.idx.msk [tilespmem:v10+s26+$0x0], vm0  }
0x189: {  	v20 =	vor.u32 v20, v21;
	v21 =	vor.u32 v15, v22;
	v19 =	vshrl.u32 v19, $0x10  }
0x18a: {  	v16 =	vand.u32 $0x380, v16;
	v13 =	vand.u32 $0x380, v13;
	v15 =	vor.u32 v14, v23;
	[tilespmem:v18+s30+$0x0] =	vst.idx.msk vm3, v17  }
0x18b: {  	s9 =	sadd.s32 $0x40, s9;
	v13 =	vor.u32 v13, v21;
	v14 =	vor.u32 v16, v20;
	v16 =	vand.u32 $0x380, v19  }
.LBB2_21:
0x18c: {  	v7 =	vand.u32 $0x7F, v7;
	v12 =	vand.u32 $0x7F, v12;
	vm2 =	vmmov vm2  }
0x18d: {  	v15 =	vor.u32 v16, v15;
	vm1 =	vmmov vm1;
	v7 =	vor.u32 v7, v14  }
0x18e: {  	vm0 =	vmmov vm0;
	v11 =	vand.u32 $0x7F, v11;
	v12 =	vor.u32 v12, v13  }
0x18f: {  	v11 =	vor.u32 v11, v15;
	_ =	sdelay $0x2  }
0x190: {  	[tilespmem:v7+s30+$0x0] =	vst.idx.msk vm2, v8  }
0x191: {  	[tilespmem:v12+s30+$0x0] =	vst.idx.msk vm1, v9  }
0x192: {  	[tilespmem:v11+s30+$0x0] =	vst.idx.msk vm0, v10  }
.LBB2_22:
.Ltmp16:
0x193: {  	(pc) =	sbr.rel @p3 .LBB2_24-.Ltmp16, $2  }
0x194: {  	_ =	sdelay $0x2  }
0x195: {  	s2 =	smov.u32 s19;
	s9 =	smov.u32 s14;
	s12 =	smov.u32 s13  }
.LBB2_23:
0x196: {  	v7 =	vld [tilespmem:s9+$0x0];
	_ =	sdelay $0x2  }
0x197: {  	v8 =	vor.u32 s2, v4  }
0x198: {  	vm0 =	vlt.s32 v8, v6  }
0x199: {  	v8 =	vand.u32 $0x3FFF, v7  }
0x19a: {  	v9 =	vshrl.u32 v7, $0xE;
	v10 =	vshrl.u32 v7, $0xB  }
0x19b: {  	v7 =	vshrl.u32 v7, $0x10;
	v11 =	vand.u32 $0x3F000, v9;
	v10 =	vand.u32 $0xC00, v10  }
0x19c: {  	v7 =	vand.u32 $0x380, v7;
	v10 =	vor.u32 v10, v11  }
0x19d: {  	s12 =	sadd.s32 $0x1, s12;
	v9 =	vand.u32 $0x7F, v9;
	v7 =	vor.u32 v7, v10  }
0x19e: {  	p6 =	slt.s32 s12, s11;
	v7 =	vor.u32 v9, v7;
	v8 =	vld.idx.msk [tilespmem:v8+s26+$0x0], vm0  }
.Ltmp17:
0x19f: {  	_ = 	snop;
	(pc) =	sbr.rel @p6 .LBB2_23-.Ltmp17, $2  }
0x1a0: {  	_ =	sdelay $0x2  }
0x1a1: {  	s9 =	sadd.s32 $0x10, s9;
	s2 =	sadd.s32 $0x10, s2;
	[tilespmem:v7+s30+$0x0] =	vst.idx.msk vm0, v8  }
.LBB2_24:
0x1a2: {  	s2 =	smul.u32 $0x6C000, s10;
	_ =	sdelay $0x1  }
0x1a3: {  	s1 =	sadd.s32 @p0 s2, s22  }
0x1a4: {  	s5 =	simm.s32 @p0 $0x0;
	s1 =	sshrl.u32 @p0 s1, $0x3  }
0x1a5: {  	s9 =	simm.s32 @p0 $0x10D80;
	s12 =	sshll.u32 s10, $0x1;
	s1 =	sadd.s32 @p0 s16, s1  }
0x1a6: {  	[hbm4b:s1+s5] =	stream.linear.scatter @p0 [tilespmem:s9], [sflag:$0x5], $0x5000, $0x38;
	[tilespmem:$0x1ED80] =	vst v63  }
0x1a7: {  	p6 =	seq.s32 s10, $0x1F;
	s1 =	sadd.s32 @!p0 s2, s18;
	s5 =	rddreg [dreg:$0xc]  }
0x1a8: {  	s15 =	simm.s32 @!p0 $0x10D80;
	s1 =	sshrl.u32 @!p0 s1, $0x3;
	s5 =	sadd.s32 @!p6 s12, s5  }
0x1a9: {  	s9 =	simm.s32 @!p0 $0x0;
	s1 =	sadd.s32 @!p0 s16, s1;
	s5 =	smul.u32 @!p6 $0x600, s5  }
0x1aa: {  	[hbm4b:s1+s9] =	stream.linear.scatter @!p0 [tilespmem:s15], [sflag:$0x5], $0x7000, $0x38;
	[tilespmem:$0x1ED80] =	vst v63  }
0x1ab: {  	s9 =	simm.s32 @!p6 $0xAF80;
	s1 =	sadd.s32 @!p6 s6, s5;
	s5 =	simm.s32 @!p6 $0x0  }
0x1ac: {  	[tilespmem:s9], [sflag:$0x3] =	stream.linear.gather @!p6 [hbm4b:s1+s5], $0x2EE0, $0x38;
	[tilespmem:$0x1ED80] =	vst v63  }
0x1ad: {  	_ =	swait.ge [sflag:s31], $0x2EE0  }
0x1ae: {  	[sflag:s31] =	ssyncset.done $0x0  }
0x1af: {  	s1 =	simm.s32 @!p4 $0x6;
	[sflag:s31] =	ssyncadd.s32 $0xFFFFD120  }
0x1b0: {  	_ =	swait.ge @!p4 [sflag:s1], $0x5000  }
.Ltmp18:
0x1b1: {  	[sflag:s1] =	ssyncset.done @!p4 $0x0;
	(pc) =	sbr.rel @p2 .LBB2_28-.Ltmp18, $4  }
0x1b2: {  	[sflag:s1] =	ssyncadd.s32 @!p4 $0xFFFFB000;
	s1 =	simm.s32 @!p5 $0x6  }
0x1b3: {  	_ =	swait.ge @!p5 [sflag:s1], $0x7000  }
0x1b4: {  	[sflag:s1] =	ssyncset.done @!p5 $0x0  }
0x1b5: {  	[sflag:s1] =	ssyncadd.s32 @!p5 $0xFFFF9000  }
0x1b6: {  	s9 =	simm.s32 $0x80A0  }
0x1b7: {  	v8 =	vld [tilespmem:s9+$0x10]  }
0x1b8: {  	v9 =	vld [tilespmem:s9+$0xFFFFFFE0]  }
0x1b9: {  	s20 =	simm.s32 $0x0;
	s1 =	simm.s32 $0x10;
	s5 =	simm.s32 $0x20;
	v10 =	vld [tilespmem:s9+$0xFFFFFFF0]  }
0x1ba: {  	s15 =	simm.s32 $0x30;
	v7 =	vor.u32 s20, v4;
	v11 =	vor.u32 s1, v4;
	v12 =	vor.u32 s5, v4;
	v13 =	vld [tilespmem:s9+$0x0]  }
0x1bb: {  	v14 =	vor.u32 s15, v4;
	vm1 =	vlt.s32 v11, v6;
	vm0 =	vlt.s32 v12, v6  }
0x1bc: {  	vm3 =	vlt.s32 v14, v6;
	vm2 =	vlt.s32 v7, v6;
	v14 =	vand.u32 $0x3FFF, v8  }
0x1bd: {  	v7 =	vshrl.u32 v9, $0xE;
	v15 =	vand.u32 $0x3FFF, v9;
	v16 =	vshrl.u32 v9, $0xB  }
0x1be: {  	v17 =	vand.u32 $0x3FFF, v10;
	v11 =	vshrl.u32 v8, $0xE;
	v12 =	vshrl.u32 v8, $0xB  }
0x1bf: {  	v8 =	vshrl.u32 v8, $0x10;
	v19 =	vand.u32 $0x3FFF, v13;
	v22 =	vshrl.u32 v13, $0xB  }
0x1c0: {  	v25 =	vshrl.u32 v10, $0x10;
	v18 =	vand.u32 $0x3F000, v11;
	v12 =	vand.u32 $0xC00, v12  }
0x1c1: {  	v8 =	vand.u32 $0x380, v8;
	v20 =	vand.u32 $0x7F, v11;
	v18 =	vor.u32 v12, v18  }
0x1c2: {  	v11 =	vshrl.u32 v13, $0xE;
	v21 =	vand.u32 $0x3F000, v7;
	v8 =	vor.u32 v8, v18  }
0x1c3: {  	p4 =	sgt.s32 s13, $0x4;
	v16 =	vand.u32 $0xC00, v16;
	v22 =	vand.u32 $0xC00, v22;
	v20 =	vor.u32 v20, v8;
	v14 =	vld.idx.msk [tilespmem:v14+s28+$0x0], vm3  }
.Ltmp19:
0x1c4: {  	v12 =	vshrl.u32 v10, $0xE;
	v24 =	vand.u32 $0x3F000, v11;
	v18 =	vshrl.u32 v10, $0xB;
	(pc) =	sbr.rel @!p4 .LBB2_27-.Ltmp19, $4  }
0x1c5: {  	v16 =	vor.u32 v16, v21;
	v23 =	vand.u32 $0x3F000, v12;
	v18 =	vand.u32 $0xC00, v18;
	v8 =	vld.idx.msk [tilespmem:v15+s28+$0x0], vm2  }
0x1c6: {  	v15 =	vshrl.u32 v9, $0x10;
	v9 =	vld.idx.msk [tilespmem:v17+s28+$0x0], vm1;
	v17 =	vor.u32 v18, v23;
	v18 =	vshrl.u32 v13, $0x10  }
0x1c7: {  	v10 =	vld.idx.msk [tilespmem:v19+s28+$0x0], vm0;
	v19 =	vand.u32 $0x380, v25;
	v13 =	vand.u32 $0x380, v15;
	v15 =	vor.u32 v22, v24  }
0x1c8: {  	s21 =	simm.s32 $0x80E0;
	s9 =	simm.s32 $0x4;
	[tilespmem:v20+s0+$0x0] =	vst.idx.msk vm3, v14;
	v14 =	vor.u32 v13, v16;
	v13 =	vor.u32 v19, v17;
	v16 =	vand.u32 $0x380, v18  }
.LBB2_26:
0x1c9: {  	v7 =	vand.u32 $0x7F, v7;
	v12 =	vand.u32 $0x7F, v12;
	v15 =	vor.u32 v16, v15  }
0x1ca: {  	v17 =	vld [tilespmem:s21+$0x10];
	s9 =	sadd.s32 $0x4, s9;
	vm5 =	vmmov vm1;
	vm4 =	vmmov vm0;
	vm6 =	vmmov vm2  }
0x1cb: {  	s20 =	sadd.s32 $0x40, s20;
	v16 =	vld [tilespmem:s21+$0xFFFFFFE0];
	p4 =	slt.s32 s9, s13;
	v14 =	vor.u32 v7, v14;
	v12 =	vor.u32 v12, v13;
	v7 =	vand.u32 $0x7F, v11  }
0x1cc: {  	v11 =	vor.u32 s20, v4;
	s1 =	sadd.s32 $0x10, s20;
	s5 =	sadd.s32 $0x20, s20;
	s15 =	sadd.s32 $0x30, s20;
	v13 =	vld [tilespmem:s21+$0xFFFFFFF0];
	v15 =	vor.u32 v7, v15  }
0x1cd: {  	v7 =	vor.u32 s1, v4;
	v18 =	vor.u32 s5, v4;
	v20 =	vor.u32 s15, v4;
	v19 =	vld [tilespmem:s21+$0x0]  }
0x1ce: {  	vm1 =	vlt.s32 v7, v6;
	vm0 =	vlt.s32 v18, v6;
	vm3 =	vlt.s32 v20, v6  }
0x1cf: {  	vm2 =	vlt.s32 v11, v6;
	v11 =	vand.u32 $0x3FFF, v17  }
0x1d0: {  	v7 =	vshrl.u32 v16, $0xE;
	v18 =	vand.u32 $0x3FFF, v16;
	v20 =	vshrl.u32 v16, $0xB;
	[tilespmem:v14+s0+$0x0] =	vst.idx.msk vm6, v8  }
0x1d1: {  	v21 =	vshrl.u32 v17, $0xB;
	v8 =	vshrl.u32 v17, $0xE;
	v14 =	vand.u32 $0x3FFF, v13;
	[tilespmem:v12+s0+$0x0] =	vst.idx.msk vm5, v9  }
0x1d2: {  	v17 =	vshrl.u32 v17, $0x10;
	v9 =	vand.u32 $0x3F000, v8;
	v12 =	vand.u32 $0xC00, v21;
	[tilespmem:v15+s0+$0x0] =	vst.idx.msk vm4, v10  }
0x1d3: {  	v10 =	vand.u32 $0x3FFF, v19;
	v9 =	vor.u32 v12, v9;
	v15 =	vand.u32 $0x380, v17  }
0x1d4: {  	v21 =	vand.u32 $0x7F, v8;
	v12 =	vshrl.u32 v13, $0xE;
	v9 =	vor.u32 v15, v9;
	v17 =	vld.idx.msk [tilespmem:v11+s28+$0x0], vm3  }
0x1d5: {  	v15 =	vshrl.u32 v13, $0xB;
	v11 =	vshrl.u32 v19, $0xE;
	v8 =	vld.idx.msk [tilespmem:v18+s28+$0x0], vm2;
	v18 =	vor.u32 v21, v9  }
0x1d6: {  	v20 =	vand.u32 $0xC00, v20;
	v21 =	vand.u32 $0x3F000, v7;
	v9 =	vld.idx.msk [tilespmem:v14+s28+$0x0], vm1;
	v14 =	vshrl.u32 v19, $0xB  }
.Ltmp20:
0x1d7: {  	v22 =	vand.u32 $0x3F000, v12;
	v15 =	vand.u32 $0xC00, v15;
	v23 =	vand.u32 $0x3F000, v11;
	(pc) =	sbr.rel @p4 .LBB2_26-.Ltmp20, $4  }
0x1d8: {  	v16 =	vshrl.u32 v16, $0x10;
	v13 =	vshrl.u32 v13, $0x10;
	v14 =	vand.u32 $0xC00, v14;
	v10 =	vld.idx.msk [tilespmem:v10+s28+$0x0], vm0  }
0x1d9: {  	v20 =	vor.u32 v20, v21;
	v21 =	vor.u32 v15, v22;
	v19 =	vshrl.u32 v19, $0x10  }
0x1da: {  	v16 =	vand.u32 $0x380, v16;
	v13 =	vand.u32 $0x380, v13;
	v15 =	vor.u32 v14, v23;
	[tilespmem:v18+s0+$0x0] =	vst.idx.msk vm3, v17  }
0x1db: {  	s21 =	sadd.s32 $0x40, s21;
	v13 =	vor.u32 v13, v21;
	v14 =	vor.u32 v16, v20;
	v16 =	vand.u32 $0x380, v19  }
.LBB2_27:
0x1dc: {  	v7 =	vand.u32 $0x7F, v7;
	v12 =	vand.u32 $0x7F, v12;
	vm2 =	vmmov vm2  }
0x1dd: {  	v15 =	vor.u32 v16, v15;
	vm1 =	vmmov vm1;
	v7 =	vor.u32 v7, v14  }
0x1de: {  	vm0 =	vmmov vm0;
	v11 =	vand.u32 $0x7F, v11;
	v12 =	vor.u32 v12, v13  }
0x1df: {  	v11 =	vor.u32 v11, v15;
	_ =	sdelay $0x2  }
0x1e0: {  	[tilespmem:v7+s0+$0x0] =	vst.idx.msk vm2, v8  }
0x1e1: {  	[tilespmem:v12+s0+$0x0] =	vst.idx.msk vm1, v9  }
0x1e2: {  	[tilespmem:v11+s0+$0x0] =	vst.idx.msk vm0, v10  }
.LBB2_28:
.Ltmp21:
0x1e3: {  	(pc) =	sbr.rel @p3 .LBB2_30-.Ltmp21, $2  }
0x1e4: {  	_ =	sdelay $0x2  }
0x1e5: {  	s9 =	smov.u32 s19;
	s20 =	smov.u32 s14;
	s21 =	smov.u32 s13  }
.LBB2_29:
0x1e6: {  	v7 =	vld [tilespmem:s20+$0x0];
	_ =	sdelay $0x2  }
0x1e7: {  	v8 =	vor.u32 s9, v4  }
0x1e8: {  	vm0 =	vlt.s32 v8, v6  }
0x1e9: {  	v8 =	vand.u32 $0x3FFF, v7  }
0x1ea: {  	v9 =	vshrl.u32 v7, $0xE;
	v10 =	vshrl.u32 v7, $0xB  }
0x1eb: {  	v7 =	vshrl.u32 v7, $0x10;
	v11 =	vand.u32 $0x3F000, v9;
	v10 =	vand.u32 $0xC00, v10  }
0x1ec: {  	v7 =	vand.u32 $0x380, v7;
	v10 =	vor.u32 v10, v11  }
0x1ed: {  	s21 =	sadd.s32 $0x1, s21;
	v9 =	vand.u32 $0x7F, v9;
	v7 =	vor.u32 v7, v10  }
0x1ee: {  	p4 =	slt.s32 s21, s11;
	v7 =	vor.u32 v9, v7;
	v8 =	vld.idx.msk [tilespmem:v8+s28+$0x0], vm0  }
.Ltmp22:
0x1ef: {  	_ = 	snop;
	(pc) =	sbr.rel @p4 .LBB2_29-.Ltmp22, $2  }
0x1f0: {  	_ =	sdelay $0x2  }
0x1f1: {  	s20 =	sadd.s32 $0x10, s20;
	s9 =	sadd.s32 $0x10, s9;
	[tilespmem:v7+s0+$0x0] =	vst.idx.msk vm0, v8  }
.LBB2_30:
.Ltmp23:
0x1f2: {  	(pc) =	sbr.rel @p1 .LBB2_33-.Ltmp23, $2  }
0x1f3: {  	_ =	sdelay $0x2  }
0x1f4: {  	s2 =	sadd.s32 $0x36000, s2  }
.Ltmp24:
0x1f5: {  	(pc) =	sbr.rel @!p6 .LBB2_34-.Ltmp24, $4  }
0x1f6: {  	s1 =	sadd.s32 s2, s22  }
0x1f7: {  	s1 =	sshrl.u32 s1, $0x3  }
0x1f8: {  	s1 =	sadd.s32 s16, s1  }
0x1f9: {  	[hbm4b:s1+s3] =	stream.linear.scatter [tilespmem:s0], [sflag:$0x6], $0x5000, $0x38;
	[tilespmem:$0x1ED80] =	vst v63  }
0x1fa: {  	s1 =	simm.s32 $0x5  }
0x1fb: {  	_ =	swait.ge [sflag:s1], $0x5000  }
.Ltmp25:
0x1fc: {  	[sflag:s1] =	ssyncset.done $0x0;
	(pc) =	sbr.rel .LBB2_36-.Ltmp25, $4  }
0x1fd: {  	s22 =	simm.s32 $0x6;
	[sflag:s1] =	ssyncadd.s32 $0xFFFFB000  }
0x1fe: {  	_ =	swait.ge [sflag:s22], $0x5000  }
0x1ff: {  	[sflag:s22] =	ssyncset.done $0x0  }
0x200: {  	s2 =	rddreg [dreg:$0xf];
	[sflag:s22] =	ssyncadd.s32 $0xFFFFB000  }
.LBB2_37:
0x201: {  	_ =	sfence.sel $0x180000  }
0x202: {  	[bflag:$0x0] =	sbarrier.arrive $0xFFFF  }
0x203: {  	_ =	strace $0x90000047  }
0x204: {  	s0 =	stileid.u32;
	[bflag:$0x2] =	sbarrier.arrive $0xFFFF  }
0x205: {  	p0 =	sne.s32 s0, $0x0;
	s0 =	rddreg [dreg:$0x2]  }
0x206: {  	s0 =	sadd.s32 @!p0 $0x100000, s0  }
0x207: {  	[sflag:s0] =	ssyncadd.tile.s32 @!p0 $0x1;
	_ =	shalt  }
.Lfunc_end2:
_tile_overlayer_lowered:
.L_overlay_start_2:
0x208: {  	(tag) =	ssettag $0x2  }
0x209: {  	s0 =	rddreg [dreg:$0x0];
	s2 =	stileid.u32  }
0x20a: {  	s1 =	rddreg [dreg:$0x1];
	p0 =	sne.s32 s2, $0x0  }
0x20b: {  	s3 =	rddreg [dreg:$0x2];
	[bflag:$0x3] =	sbarrier.arrive $0xFFFF;
	s2 =	simm.s32 @!p0 $0x1C07  }
0x20c: {  	[timem:s3], [sflag:s2] =	dma.local @!p0 [hbm:s0], s1  }
0x20d: {  	s0 =	simm.s32 @!p0 $0x7  }
0x20e: {  	_ =	swait.ge @!p0 [sflag:s0], s1  }
0x20f: {  	s1 =	ssub.s32 @!p0 $0x0, s1;
	[sflag:s0] =	ssyncset.done @!p0 $0x0  }
0x210: {  	[sflag:s0] =	ssyncadd.s32 @!p0 s1  }
0x211: {  	[bflag:$0x3] =	sbarrier.arrive $0xFFFF  }
0x212: {  	_ =	shalt  }

</sc_bundles>
